<compile_context>
chip_gen: v7x
topology: tpu7x:2x2x1
jax: 0.10.2.dev20260603
libtpu: 0.0.44.dev20260713+nightly
codegen_flags: <defaults>
</compile_context>

<pallas_src>
import functools

import jax
import jax.numpy as jnp
from jax import lax
from jax.experimental import pallas as pl
from jax.experimental.pallas import tpu as pltpu
from jax.experimental.pallas import tpu_sc as plsc

_B = 16384
_C = 1000
_NS = 2048


def _sc_body(pred_hbm, label_hbm, out_hbm, idx_v, buf_line, sel_v, sem):
    t = lax.axis_index("s") * 2 + lax.axis_index("c")
    lanes = lax.iota(jnp.int32, 16)
    for k in range(32):
        idx_v[k // 8, pl.ds((k % 8) * 16, 16)] = (
            (lanes * 997 + k * 16 + t * 37) & (_NS - 1))
    s = t & 7
    col0 = pl.multiple_of((t >> 3) * 128, 128)
    copies = [
        pltpu.async_copy(
            pred_hbm.at[idx_v.at[g], pl.ds(s, 1), pl.ds(col0, 128)],
            buf_line.at[pl.ds(g * 128, 128)], sem)
        for g in range(4)
    ]
    for cp in copies:
        cp.wait()
    buf2 = buf_line.reshape(512, 128)
    for k in range(32):
        vals = plsc.load_gather(buf2, [lanes + k * 16, lanes])
        sel_v[k // 8, pl.ds((k % 8) * 16, 16)] = vals
    pltpu.sync_copy(sel_v, out_hbm.at[t])


@jax.jit
def _sc_gather(pred3, label):
    mesh = plsc.VectorSubcoreMesh(core_axis_name="c", subcore_axis_name="s")
    fn = functools.partial(
        pl.kernel,
        out_type=jax.ShapeDtypeStruct((32, 4, 128), jnp.float32),
        mesh=mesh,
        scratch_types=[
            pltpu.VMEM((4, 128), jnp.int32),
            pltpu.VMEM((512, 1, 128), jnp.float32),
            pltpu.VMEM((4, 128), jnp.float32),
            pltpu.SemaphoreType.DMA,
        ],
        compiler_params=pltpu.CompilerParams(
            use_tc_tiling_on_sc=True, needs_layout_passes=False),
    )(_sc_gather_inner := _sc_body)
    return fn(pred3, label)


def kernel(pred, label):
    pred3 = pred.reshape(_NS, 8, _C)
    gathered = _sc_gather(pred3, label.astype(jnp.int32))
    return -jnp.sum(jnp.log(gathered + 1e-8)) / (_B * _C)

# --- scband reference (transcript-rebuilt; emitter-appended) ---
"""Pipeline reference for scband-ang-cross-entropy-22935125361003 (READ-ONLY COPY).

The authoritative reference and input builder live on the scoring server;
editing this copy changes nothing except your own understanding.
"""

import jax, jax.numpy as jnp
import numpy as np

NUM_CLASS = 1000
BATCH = 16384


def setup_inputs(seed: int = 0) -> dict:
    key = jax.random.key(seed)
    k1, k2 = jax.random.split(key)
    pred = jax.random.uniform(k1, (BATCH, NUM_CLASS), dtype=jnp.float32)
    label = jax.random.randint(k2, (BATCH,), 0, NUM_CLASS)
    return {"pred": pred, "label": label}


def reference(pred, label):
    # one_hot_encoder: scatter 1s at label positions -> one-hot [B, C]
    one_hot = jax.nn.one_hot(label, NUM_CLASS, dtype=jnp.float32)
    # loss = -label_onehot * log(pred + 1e-8), mean over all B*C elements
    loss = -one_hot * jnp.log(pred + 1e-8)
    return jnp.mean(loss)

if __name__ == "__main__":
    import jax
    _d = setup_inputs()
    print(jax.jit(kernel)(*tuple(_d.values())))

</pallas_src>

<mosaic_0001>
#map = affine_map<(d0, d1) -> (0, 0, 0)>
#map1 = affine_map<(d0, d1) -> (0)>
module attributes {stable_mosaic.version = 14 : i64} {
  func.func @_sc_body(%arg0: i32, %arg1: i32, %arg2: memref<2048x8x1000xf32, #tpu.memory_space<hbm>>, %arg3: memref<16384xi32, #tpu.memory_space<hbm>>, %arg4: memref<32x4x128xf32, #tpu.memory_space<hbm>>, %arg5: memref<4x128xi32, #tpu.memory_space<vmem>>, %arg6: memref<512x1x128xf32, #tpu.memory_space<vmem>>, %arg7: memref<4x128xf32, #tpu.memory_space<vmem>>, %arg8: memref<!tpu.dma_semaphore, #tpu.memory_space<semaphore_mem>>) attributes {dimension_semantics = [#tpu.dimension_semantics<core_parallel>, #tpu.dimension_semantics<subcore_parallel>], iteration_bounds = array<i64: 2, 16>, scalar_prefetch = 0 : i64, scratch_operands = 4 : i64, tpu.core_type = #tpu.core_type<sc_vector_subcore>, window_params = [{transform_indices = #map}, {transform_indices = #map1}, {transform_indices = #map}]} {
    %mul3A = arith.constant 2 : i32
    %mul3A_0 = arith.muli %arg1, %mul3A : i32
    %add3A = arith.addi %mul3A_0, %arg0 : i32
    %iota3A = tpu.iota {dimensions = array<i32: 0>} : vector<16xi32>
    %mul3A_1 = arith.constant 997 : i32
    %mul3A_2 = vector.broadcast %mul3A_1 : i32 to vector<16xi32>
    %mul3A_3 = arith.muli %iota3A, %mul3A_2 : vector<16xi32>
    %add3A_4 = arith.constant 0 : i32
    %add3A_5 = vector.broadcast %add3A_4 : i32 to vector<16xi32>
    %add3A_6 = arith.addi %mul3A_3, %add3A_5 : vector<16xi32>
    %mul3A_7 = arith.constant 37 : i32
    %mul3A_8 = arith.muli %add3A, %mul3A_7 : i32
    %add3A_9 = vector.broadcast %mul3A_8 : i32 to vector<16xi32>
    %add3A_10 = arith.addi %add3A_6, %add3A_9 : vector<16xi32>
    %and3A = arith.constant 2047 : i32
    %and3A_11 = vector.broadcast %and3A : i32 to vector<16xi32>
    %and3A_12 = arith.andi %add3A_10, %and3A_11 : vector<16xi32>
    %swap3A = arith.constant 0 : i32
    %swap3A_13 = arith.index_cast %swap3A : i32 to index
    %swap3A_14 = arith.constant 0 : index
    %swap3A_15 = tpu.vector_load %arg5[%swap3A_13, %swap3A_14] {strides = array<i32>} : memref<4x128xi32, #tpu.memory_space<vmem>>, vector<16xi32>,
    tpu.vector_store %arg5[%swap3A_13, %swap3A_14], %and3A_12 {strides = array<i32>} : memref<4x128xi32, #tpu.memory_space<vmem>>, vector<16xi32>,
    %mul3A_16 = arith.constant 997 : i32
    %mul3A_17 = vector.broadcast %mul3A_16 : i32 to vector<16xi32>
    %mul3A_18 = arith.muli %iota3A, %mul3A_17 : vector<16xi32>
    %add3A_19 = arith.constant 16 : i32
    %add3A_20 = vector.broadcast %add3A_19 : i32 to vector<16xi32>
    %add3A_21 = arith.addi %mul3A_18, %add3A_20 : vector<16xi32>
    %mul3A_22 = arith.constant 37 : i32
    %mul3A_23 = arith.muli %add3A, %mul3A_22 : i32
    %add3A_24 = vector.broadcast %mul3A_23 : i32 to vector<16xi32>
    %add3A_25 = arith.addi %add3A_21, %add3A_24 : vector<16xi32>
    %and3A_26 = arith.constant 2047 : i32
    %and3A_27 = vector.broadcast %and3A_26 : i32 to vector<16xi32>
    %and3A_28 = arith.andi %add3A_25, %and3A_27 : vector<16xi32>
    %swap3A_29 = arith.constant 0 : i32
    %swap3A_30 = arith.index_cast %swap3A_29 : i32 to index
    %swap3A_31 = arith.constant 16 : index
    %swap3A_32 = tpu.vector_load %arg5[%swap3A_30, %swap3A_31] {strides = array<i32>} : memref<4x128xi32, #tpu.memory_space<vmem>>, vector<16xi32>,
    tpu.vector_store %arg5[%swap3A_30, %swap3A_31], %and3A_28 {strides = array<i32>} : memref<4x128xi32, #tpu.memory_space<vmem>>, vector<16xi32>,
    %mul3A_33 = arith.constant 997 : i32
    %mul3A_34 = vector.broadcast %mul3A_33 : i32 to vector<16xi32>
    %mul3A_35 = arith.muli %iota3A, %mul3A_34 : vector<16xi32>
    %add3A_36 = arith.constant 32 : i32
    %add3A_37 = vector.broadcast %add3A_36 : i32 to vector<16xi32>
    %add3A_38 = arith.addi %mul3A_35, %add3A_37 : vector<16xi32>
    %mul3A_39 = arith.constant 37 : i32
    %mul3A_40 = arith.muli %add3A, %mul3A_39 : i32
    %add3A_41 = vector.broadcast %mul3A_40 : i32 to vector<16xi32>
    %add3A_42 = arith.addi %add3A_38, %add3A_41 : vector<16xi32>
    %and3A_43 = arith.constant 2047 : i32
    %and3A_44 = vector.broadcast %and3A_43 : i32 to vector<16xi32>
    %and3A_45 = arith.andi %add3A_42, %and3A_44 : vector<16xi32>
    %swap3A_46 = arith.constant 0 : i32
    %swap3A_47 = arith.index_cast %swap3A_46 : i32 to index
    %swap3A_48 = arith.constant 32 : index
    %swap3A_49 = tpu.vector_load %arg5[%swap3A_47, %swap3A_48] {strides = array<i32>} : memref<4x128xi32, #tpu.memory_space<vmem>>, vector<16xi32>,
    tpu.vector_store %arg5[%swap3A_47, %swap3A_48], %and3A_45 {strides = array<i32>} : memref<4x128xi32, #tpu.memory_space<vmem>>, vector<16xi32>,
    %mul3A_50 = arith.constant 997 : i32
    %mul3A_51 = vector.broadcast %mul3A_50 : i32 to vector<16xi32>
    %mul3A_52 = arith.muli %iota3A, %mul3A_51 : vector<16xi32>
    %add3A_53 = arith.constant 48 : i32
    %add3A_54 = vector.broadcast %add3A_53 : i32 to vector<16xi32>
    %add3A_55 = arith.addi %mul3A_52, %add3A_54 : vector<16xi32>
    %mul3A_56 = arith.constant 37 : i32
    %mul3A_57 = arith.muli %add3A, %mul3A_56 : i32
    %add3A_58 = vector.broadcast %mul3A_57 : i32 to vector<16xi32>
    %add3A_59 = arith.addi %add3A_55, %add3A_58 : vector<16xi32>
    %and3A_60 = arith.constant 2047 : i32
    %and3A_61 = vector.broadcast %and3A_60 : i32 to vector<16xi32>
    %and3A_62 = arith.andi %add3A_59, %and3A_61 : vector<16xi32>
    %swap3A_63 = arith.constant 0 : i32
    %swap3A_64 = arith.index_cast %swap3A_63 : i32 to index
    %swap3A_65 = arith.constant 48 : index
    %swap3A_66 = tpu.vector_load %arg5[%swap3A_64, %swap3A_65] {strides = array<i32>} : memref<4x128xi32, #tpu.memory_space<vmem>>, vector<16xi32>,
    tpu.vector_store %arg5[%swap3A_64, %swap3A_65], %and3A_62 {strides = array<i32>} : memref<4x128xi32, #tpu.memory_space<vmem>>, vector<16xi32>,
    %mul3A_67 = arith.constant 997 : i32
    %mul3A_68 = vector.broadcast %mul3A_67 : i32 to vector<16xi32>
    %mul3A_69 = arith.muli %iota3A, %mul3A_68 : vector<16xi32>
    %add3A_70 = arith.constant 64 : i32
    %add3A_71 = vector.broadcast %add3A_70 : i32 to vector<16xi32>
    %add3A_72 = arith.addi %mul3A_69, %add3A_71 : vector<16xi32>
    %mul3A_73 = arith.constant 37 : i32
    %mul3A_74 = arith.muli %add3A, %mul3A_73 : i32
    %add3A_75 = vector.broadcast %mul3A_74 : i32 to vector<16xi32>
    %add3A_76 = arith.addi %add3A_72, %add3A_75 : vector<16xi32>
    %and3A_77 = arith.constant 2047 : i32
    %and3A_78 = vector.broadcast %and3A_77 : i32 to vector<16xi32>
    %and3A_79 = arith.andi %add3A_76, %and3A_78 : vector<16xi32>
    %swap3A_80 = arith.constant 0 : i32
    %swap3A_81 = arith.index_cast %swap3A_80 : i32 to index
    %swap3A_82 = arith.constant 64 : index
    %swap3A_83 = tpu.vector_load %arg5[%swap3A_81, %swap3A_82] {strides = array<i32>} : memref<4x128xi32, #tpu.memory_space<vmem>>, vector<16xi32>,
    tpu.vector_store %arg5[%swap3A_81, %swap3A_82], %and3A_79 {strides = array<i32>} : memref<4x128xi32, #tpu.memory_space<vmem>>, vector<16xi32>,
    %mul3A_84 = arith.constant 997 : i32
    %mul3A_85 = vector.broadcast %mul3A_84 : i32 to vector<16xi32>
    %mul3A_86 = arith.muli %iota3A, %mul3A_85 : vector<16xi32>
    %add3A_87 = arith.constant 80 : i32
    %add3A_88 = vector.broadcast %add3A_87 : i32 to vector<16xi32>
    %add3A_89 = arith.addi %mul3A_86, %add3A_88 : vector<16xi32>
    %mul3A_90 = arith.constant 37 : i32
    %mul3A_91 = arith.muli %add3A, %mul3A_90 : i32
    %add3A_92 = vector.broadcast %mul3A_91 : i32 to vector<16xi32>
    %add3A_93 = arith.addi %add3A_89, %add3A_92 : vector<16xi32>
    %and3A_94 = arith.constant 2047 : i32
    %and3A_95 = vector.broadcast %and3A_94 : i32 to vector<16xi32>
    %and3A_96 = arith.andi %add3A_93, %and3A_95 : vector<16xi32>
    %swap3A_97 = arith.constant 0 : i32
    %swap3A_98 = arith.index_cast %swap3A_97 : i32 to index
    %swap3A_99 = arith.constant 80 : index
    %swap3A_100 = tpu.vector_load %arg5[%swap3A_98, %swap3A_99] {strides = array<i32>} : memref<4x128xi32, #tpu.memory_space<vmem>>, vector<16xi32>,
    tpu.vector_store %arg5[%swap3A_98, %swap3A_99], %and3A_96 {strides = array<i32>} : memref<4x128xi32, #tpu.memory_space<vmem>>, vector<16xi32>,
    %mul3A_101 = arith.constant 997 : i32
    %mul3A_102 = vector.broadcast %mul3A_101 : i32 to vector<16xi32>
    %mul3A_103 = arith.muli %iota3A, %mul3A_102 : vector<16xi32>
    %add3A_104 = arith.constant 96 : i32
    %add3A_105 = vector.broadcast %add3A_104 : i32 to vector<16xi32>
    %add3A_106 = arith.addi %mul3A_103, %add3A_105 : vector<16xi32>
    %mul3A_107 = arith.constant 37 : i32
    %mul3A_108 = arith.muli %add3A, %mul3A_107 : i32
    %add3A_109 = vector.broadcast %mul3A_108 : i32 to vector<16xi32>
    %add3A_110 = arith.addi %add3A_106, %add3A_109 : vector<16xi32>
    %and3A_111 = arith.constant 2047 : i32
    %and3A_112 = vector.broadcast %and3A_111 : i32 to vector<16xi32>
    %and3A_113 = arith.andi %add3A_110, %and3A_112 : vector<16xi32>
    %swap3A_114 = arith.constant 0 : i32
    %swap3A_115 = arith.index_cast %swap3A_114 : i32 to index
    %swap3A_116 = arith.constant 96 : index
    %swap3A_117 = tpu.vector_load %arg5[%swap3A_115, %swap3A_116] {strides = array<i32>} : memref<4x128xi32, #tpu.memory_space<vmem>>, vector<16xi32>,
    tpu.vector_store %arg5[%swap3A_115, %swap3A_116], %and3A_113 {strides = array<i32>} : memref<4x128xi32, #tpu.memory_space<vmem>>, vector<16xi32>,
    %mul3A_118 = arith.constant 997 : i32
    %mul3A_119 = vector.broadcast %mul3A_118 : i32 to vector<16xi32>
    %mul3A_120 = arith.muli %iota3A, %mul3A_119 : vector<16xi32>
    %add3A_121 = arith.constant 112 : i32
    %add3A_122 = vector.broadcast %add3A_121 : i32 to vector<16xi32>
    %add3A_123 = arith.addi %mul3A_120, %add3A_122 : vector<16xi32>
    %mul3A_124 = arith.constant 37 : i32
    %mul3A_125 = arith.muli %add3A, %mul3A_124 : i32
    %add3A_126 = vector.broadcast %mul3A_125 : i32 to vector<16xi32>
    %add3A_127 = arith.addi %add3A_123, %add3A_126 : vector<16xi32>
    %and3A_128 = arith.constant 2047 : i32
    %and3A_129 = vector.broadcast %and3A_128 : i32 to vector<16xi32>
    %and3A_130 = arith.andi %add3A_127, %and3A_129 : vector<16xi32>
    %swap3A_131 = arith.constant 0 : i32
    %swap3A_132 = arith.index_cast %swap3A_131 : i32 to index
    %swap3A_133 = arith.constant 112 : index
    %swap3A_134 = tpu.vector_load %arg5[%swap3A_132, %swap3A_133] {strides = array<i32>} : memref<4x128xi32, #tpu.memory_space<vmem>>, vector<16xi32>,
    tpu.vector_store %arg5[%swap3A_132, %swap3A_133], %and3A_130 {strides = array<i32>} : memref<4x128xi32, #tpu.memory_space<vmem>>, vector<16xi32>,
    %mul3A_135 = arith.constant 997 : i32
    %mul3A_136 = vector.broadcast %mul3A_135 : i32 to vector<16xi32>
    %mul3A_137 = arith.muli %iota3A, %mul3A_136 : vector<16xi32>
    %add3A_138 = arith.constant 128 : i32
    %add3A_139 = vector.broadcast %add3A_138 : i32 to vector<16xi32>
    %add3A_140 = arith.addi %mul3A_137, %add3A_139 : vector<16xi32>
    %mul3A_141 = arith.constant 37 : i32
    %mul3A_142 = arith.muli %add3A, %mul3A_141 : i32
    %add3A_143 = vector.broadcast %mul3A_142 : i32 to vector<16xi32>
    %add3A_144 = arith.addi %add3A_140, %add3A_143 : vector<16xi32>
    %and3A_145 = arith.constant 2047 : i32
    %and3A_146 = vector.broadcast %and3A_145 : i32 to vector<16xi32>
    %and3A_147 = arith.andi %add3A_144, %and3A_146 : vector<16xi32>
    %swap3A_148 = arith.constant 1 : i32
    %swap3A_149 = arith.index_cast %swap3A_148 : i32 to index
    %swap3A_150 = arith.constant 0 : index
    %swap3A_151 = tpu.vector_load %arg5[%swap3A_149, %swap3A_150] {strides = array<i32>} : memref<4x128xi32, #tpu.memory_space<vmem>>, vector<16xi32>,
    tpu.vector_store %arg5[%swap3A_149, %swap3A_150], %and3A_147 {strides = array<i32>} : memref<4x128xi32, #tpu.memory_space<vmem>>, vector<16xi32>,
    %mul3A_152 = arith.constant 997 : i32
    %mul3A_153 = vector.broadcast %mul3A_152 : i32 to vector<16xi32>
    %mul3A_154 = arith.muli %iota3A, %mul3A_153 : vector<16xi32>
    %add3A_155 = arith.constant 144 : i32
    %add3A_156 = vector.broadcast %add3A_155 : i32 to vector<16xi32>
    %add3A_157 = arith.addi %mul3A_154, %add3A_156 : vector<16xi32>
    %mul3A_158 = arith.constant 37 : i32
    %mul3A_159 = arith.muli %add3A, %mul3A_158 : i32
    %add3A_160 = vector.broadcast %mul3A_159 : i32 to vector<16xi32>
    %add3A_161 = arith.addi %add3A_157, %add3A_160 : vector<16xi32>
    %and3A_162 = arith.constant 2047 : i32
    %and3A_163 = vector.broadcast %and3A_162 : i32 to vector<16xi32>
    %and3A_164 = arith.andi %add3A_161, %and3A_163 : vector<16xi32>
    %swap3A_165 = arith.constant 1 : i32
    %swap3A_166 = arith.index_cast %swap3A_165 : i32 to index
    %swap3A_167 = arith.constant 16 : index
    %swap3A_168 = tpu.vector_load %arg5[%swap3A_166, %swap3A_167] {strides = array<i32>} : memref<4x128xi32, #tpu.memory_space<vmem>>, vector<16xi32>,
    tpu.vector_store %arg5[%swap3A_166, %swap3A_167], %and3A_164 {strides = array<i32>} : memref<4x128xi32, #tpu.memory_space<vmem>>, vector<16xi32>,
    %mul3A_169 = arith.constant 997 : i32
    %mul3A_170 = vector.broadcast %mul3A_169 : i32 to vector<16xi32>
    %mul3A_171 = arith.muli %iota3A, %mul3A_170 : vector<16xi32>
    %add3A_172 = arith.constant 160 : i32
    %add3A_173 = vector.broadcast %add3A_172 : i32 to vector<16xi32>
    %add3A_174 = arith.addi %mul3A_171, %add3A_173 : vector<16xi32>
    %mul3A_175 = arith.constant 37 : i32
    %mul3A_176 = arith.muli %add3A, %mul3A_175 : i32
    %add3A_177 = vector.broadcast %mul3A_176 : i32 to vector<16xi32>
    %add3A_178 = arith.addi %add3A_174, %add3A_177 : vector<16xi32>
    %and3A_179 = arith.constant 2047 : i32
    %and3A_180 = vector.broadcast %and3A_179 : i32 to vector<16xi32>
    %and3A_181 = arith.andi %add3A_178, %and3A_180 : vector<16xi32>
    %swap3A_182 = arith.constant 1 : i32
    %swap3A_183 = arith.index_cast %swap3A_182 : i32 to index
    %swap3A_184 = arith.constant 32 : index
    %swap3A_185 = tpu.vector_load %arg5[%swap3A_183, %swap3A_184] {strides = array<i32>} : memref<4x128xi32, #tpu.memory_space<vmem>>, vector<16xi32>,
    tpu.vector_store %arg5[%swap3A_183, %swap3A_184], %and3A_181 {strides = array<i32>} : memref<4x128xi32, #tpu.memory_space<vmem>>, vector<16xi32>,
    %mul3A_186 = arith.constant 997 : i32
    %mul3A_187 = vector.broadcast %mul3A_186 : i32 to vector<16xi32>
    %mul3A_188 = arith.muli %iota3A, %mul3A_187 : vector<16xi32>
    %add3A_189 = arith.constant 176 : i32
    %add3A_190 = vector.broadcast %add3A_189 : i32 to vector<16xi32>
    %add3A_191 = arith.addi %mul3A_188, %add3A_190 : vector<16xi32>
    %mul3A_192 = arith.constant 37 : i32
    %mul3A_193 = arith.muli %add3A, %mul3A_192 : i32
    %add3A_194 = vector.broadcast %mul3A_193 : i32 to vector<16xi32>
    %add3A_195 = arith.addi %add3A_191, %add3A_194 : vector<16xi32>
    %and3A_196 = arith.constant 2047 : i32
    %and3A_197 = vector.broadcast %and3A_196 : i32 to vector<16xi32>
    %and3A_198 = arith.andi %add3A_195, %and3A_197 : vector<16xi32>
    %swap3A_199 = arith.constant 1 : i32
    %swap3A_200 = arith.index_cast %swap3A_199 : i32 to index
    %swap3A_201 = arith.constant 48 : index
    %swap3A_202 = tpu.vector_load %arg5[%swap3A_200, %swap3A_201] {strides = array<i32>} : memref<4x128xi32, #tpu.memory_space<vmem>>, vector<16xi32>,
    tpu.vector_store %arg5[%swap3A_200, %swap3A_201], %and3A_198 {strides = array<i32>} : memref<4x128xi32, #tpu.memory_space<vmem>>, vector<16xi32>,
    %mul3A_203 = arith.constant 997 : i32
    %mul3A_204 = vector.broadcast %mul3A_203 : i32 to vector<16xi32>
    %mul3A_205 = arith.muli %iota3A, %mul3A_204 : vector<16xi32>
    %add3A_206 = arith.constant 192 : i32
    %add3A_207 = vector.broadcast %add3A_206 : i32 to vector<16xi32>
    %add3A_208 = arith.addi %mul3A_205, %add3A_207 : vector<16xi32>
    %mul3A_209 = arith.constant 37 : i32
    %mul3A_210 = arith.muli %add3A, %mul3A_209 : i32
    %add3A_211 = vector.broadcast %mul3A_210 : i32 to vector<16xi32>
    %add3A_212 = arith.addi %add3A_208, %add3A_211 : vector<16xi32>
    %and3A_213 = arith.constant 2047 : i32
    %and3A_214 = vector.broadcast %and3A_213 : i32 to vector<16xi32>
    %and3A_215 = arith.andi %add3A_212, %and3A_214 : vector<16xi32>
    %swap3A_216 = arith.constant 1 : i32
    %swap3A_217 = arith.index_cast %swap3A_216 : i32 to index
    %swap3A_218 = arith.constant 64 : index
    %swap3A_219 = tpu.vector_load %arg5[%swap3A_217, %swap3A_218] {strides = array<i32>} : memref<4x128xi32, #tpu.memory_space<vmem>>, vector<16xi32>,
    tpu.vector_store %arg5[%swap3A_217, %swap3A_218], %and3A_215 {strides = array<i32>} : memref<4x128xi32, #tpu.memory_space<vmem>>, vector<16xi32>,
    %mul3A_220 = arith.constant 997 : i32
    %mul3A_221 = vector.broadcast %mul3A_220 : i32 to vector<16xi32>
    %mul3A_222 = arith.muli %iota3A, %mul3A_221 : vector<16xi32>
    %add3A_223 = arith.constant 208 : i32
    %add3A_224 = vector.broadcast %add3A_223 : i32 to vector<16xi32>
    %add3A_225 = arith.addi %mul3A_222, %add3A_224 : vector<16xi32>
    %mul3A_226 = arith.constant 37 : i32
    %mul3A_227 = arith.muli %add3A, %mul3A_226 : i32
    %add3A_228 = vector.broadcast %mul3A_227 : i32 to vector<16xi32>
    %add3A_229 = arith.addi %add3A_225, %add3A_228 : vector<16xi32>
    %and3A_230 = arith.constant 2047 : i32
    %and3A_231 = vector.broadcast %and3A_230 : i32 to vector<16xi32>
    %and3A_232 = arith.andi %add3A_229, %and3A_231 : vector<16xi32>
    %swap3A_233 = arith.constant 1 : i32
    %swap3A_234 = arith.index_cast %swap3A_233 : i32 to index
    %swap3A_235 = arith.constant 80 : index
    %swap3A_236 = tpu.vector_load %arg5[%swap3A_234, %swap3A_235] {strides = array<i32>} : memref<4x128xi32, #tpu.memory_space<vmem>>, vector<16xi32>,
    tpu.vector_store %arg5[%swap3A_234, %swap3A_235], %and3A_232 {strides = array<i32>} : memref<4x128xi32, #tpu.memory_space<vmem>>, vector<16xi32>,
    %mul3A_237 = arith.constant 997 : i32
    %mul3A_238 = vector.broadcast %mul3A_237 : i32 to vector<16xi32>
    %mul3A_239 = arith.muli %iota3A, %mul3A_238 : vector<16xi32>
    %add3A_240 = arith.constant 224 : i32
    %add3A_241 = vector.broadcast %add3A_240 : i32 to vector<16xi32>
    %add3A_242 = arith.addi %mul3A_239, %add3A_241 : vector<16xi32>
    %mul3A_243 = arith.constant 37 : i32
    %mul3A_244 = arith.muli %add3A, %mul3A_243 : i32
    %add3A_245 = vector.broadcast %mul3A_244 : i32 to vector<16xi32>
    %add3A_246 = arith.addi %add3A_242, %add3A_245 : vector<16xi32>
    %and3A_247 = arith.constant 2047 : i32
    %and3A_248 = vector.broadcast %and3A_247 : i32 to vector<16xi32>
    %and3A_249 = arith.andi %add3A_246, %and3A_248 : vector<16xi32>
    %swap3A_250 = arith.constant 1 : i32
    %swap3A_251 = arith.index_cast %swap3A_250 : i32 to index
    %swap3A_252 = arith.constant 96 : index
    %swap3A_253 = tpu.vector_load %arg5[%swap3A_251, %swap3A_252] {strides = array<i32>} : memref<4x128xi32, #tpu.memory_space<vmem>>, vector<16xi32>,
    tpu.vector_store %arg5[%swap3A_251, %swap3A_252], %and3A_249 {strides = array<i32>} : memref<4x128xi32, #tpu.memory_space<vmem>>, vector<16xi32>,
    %mul3A_254 = arith.constant 997 : i32
    %mul3A_255 = vector.broadcast %mul3A_254 : i32 to vector<16xi32>
    %mul3A_256 = arith.muli %iota3A, %mul3A_255 : vector<16xi32>
    %add3A_257 = arith.constant 240 : i32
    %add3A_258 = vector.broadcast %add3A_257 : i32 to vector<16xi32>
    %add3A_259 = arith.addi %mul3A_256, %add3A_258 : vector<16xi32>
    %mul3A_260 = arith.constant 37 : i32
    %mul3A_261 = arith.muli %add3A, %mul3A_260 : i32
    %add3A_262 = vector.broadcast %mul3A_261 : i32 to vector<16xi32>
    %add3A_263 = arith.addi %add3A_259, %add3A_262 : vector<16xi32>
    %and3A_264 = arith.constant 2047 : i32
    %and3A_265 = vector.broadcast %and3A_264 : i32 to vector<16xi32>
    %and3A_266 = arith.andi %add3A_263, %and3A_265 : vector<16xi32>
    %swap3A_267 = arith.constant 1 : i32
    %swap3A_268 = arith.index_cast %swap3A_267 : i32 to index
    %swap3A_269 = arith.constant 112 : index
    %swap3A_270 = tpu.vector_load %arg5[%swap3A_268, %swap3A_269] {strides = array<i32>} : memref<4x128xi32, #tpu.memory_space<vmem>>, vector<16xi32>,
    tpu.vector_store %arg5[%swap3A_268, %swap3A_269], %and3A_266 {strides = array<i32>} : memref<4x128xi32, #tpu.memory_space<vmem>>, vector<16xi32>,
    %mul3A_271 = arith.constant 997 : i32
    %mul3A_272 = vector.broadcast %mul3A_271 : i32 to vector<16xi32>
    %mul3A_273 = arith.muli %iota3A, %mul3A_272 : vector<16xi32>
    %add3A_274 = arith.constant 256 : i32
    %add3A_275 = vector.broadcast %add3A_274 : i32 to vector<16xi32>
    %add3A_276 = arith.addi %mul3A_273, %add3A_275 : vector<16xi32>
    %mul3A_277 = arith.constant 37 : i32
    %mul3A_278 = arith.muli %add3A, %mul3A_277 : i32
    %add3A_279 = vector.broadcast %mul3A_278 : i32 to vector<16xi32>
    %add3A_280 = arith.addi %add3A_276, %add3A_279 : vector<16xi32>
    %and3A_281 = arith.constant 2047 : i32
    %and3A_282 = vector.broadcast %and3A_281 : i32 to vector<16xi32>
    %and3A_283 = arith.andi %add3A_280, %and3A_282 : vector<16xi32>
    %swap3A_284 = arith.constant 2 : i32
    %swap3A_285 = arith.index_cast %swap3A_284 : i32 to index
    %swap3A_286 = arith.constant 0 : index
    %swap3A_287 = tpu.vector_load %arg5[%swap3A_285, %swap3A_286] {strides = array<i32>} : memref<4x128xi32, #tpu.memory_space<vmem>>, vector<16xi32>,
    tpu.vector_store %arg5[%swap3A_285, %swap3A_286], %and3A_283 {strides = array<i32>} : memref<4x128xi32, #tpu.memory_space<vmem>>, vector<16xi32>,
    %mul3A_288 = arith.constant 997 : i32
    %mul3A_289 = vector.broadcast %mul3A_288 : i32 to vector<16xi32>
    %mul3A_290 = arith.muli %iota3A, %mul3A_289 : vector<16xi32>
    %add3A_291 = arith.constant 272 : i32
    %add3A_292 = vector.broadcast %add3A_291 : i32 to vector<16xi32>
    %add3A_293 = arith.addi %mul3A_290, %add3A_292 : vector<16xi32>
    %mul3A_294 = arith.constant 37 : i32
    %mul3A_295 = arith.muli %add3A, %mul3A_294 : i32
    %add3A_296 = vector.broadcast %mul3A_295 : i32 to vector<16xi32>
    %add3A_297 = arith.addi %add3A_293, %add3A_296 : vector<16xi32>
    %and3A_298 = arith.constant 2047 : i32
    %and3A_299 = vector.broadcast %and3A_298 : i32 to vector<16xi32>
    %and3A_300 = arith.andi %add3A_297, %and3A_299 : vector<16xi32>
    %swap3A_301 = arith.constant 2 : i32
    %swap3A_302 = arith.index_cast %swap3A_301 : i32 to index
    %swap3A_303 = arith.constant 16 : index
    %swap3A_304 = tpu.vector_load %arg5[%swap3A_302, %swap3A_303] {strides = array<i32>} : memref<4x128xi32, #tpu.memory_space<vmem>>, vector<16xi32>,
    tpu.vector_store %arg5[%swap3A_302, %swap3A_303], %and3A_300 {strides = array<i32>} : memref<4x128xi32, #tpu.memory_space<vmem>>, vector<16xi32>,
    %mul3A_305 = arith.constant 997 : i32
    %mul3A_306 = vector.broadcast %mul3A_305 : i32 to vector<16xi32>
    %mul3A_307 = arith.muli %iota3A, %mul3A_306 : vector<16xi32>
    %add3A_308 = arith.constant 288 : i32
    %add3A_309 = vector.broadcast %add3A_308 : i32 to vector<16xi32>
    %add3A_310 = arith.addi %mul3A_307, %add3A_309 : vector<16xi32>
    %mul3A_311 = arith.constant 37 : i32
    %mul3A_312 = arith.muli %add3A, %mul3A_311 : i32
    %add3A_313 = vector.broadcast %mul3A_312 : i32 to vector<16xi32>
    %add3A_314 = arith.addi %add3A_310, %add3A_313 : vector<16xi32>
    %and3A_315 = arith.constant 2047 : i32
    %and3A_316 = vector.broadcast %and3A_315 : i32 to vector<16xi32>
    %and3A_317 = arith.andi %add3A_314, %and3A_316 : vector<16xi32>
    %swap3A_318 = arith.constant 2 : i32
    %swap3A_319 = arith.index_cast %swap3A_318 : i32 to index
    %swap3A_320 = arith.constant 32 : index
    %swap3A_321 = tpu.vector_load %arg5[%swap3A_319, %swap3A_320] {strides = array<i32>} : memref<4x128xi32, #tpu.memory_space<vmem>>, vector<16xi32>,
    tpu.vector_store %arg5[%swap3A_319, %swap3A_320], %and3A_317 {strides = array<i32>} : memref<4x128xi32, #tpu.memory_space<vmem>>, vector<16xi32>,
    %mul3A_322 = arith.constant 997 : i32
    %mul3A_323 = vector.broadcast %mul3A_322 : i32 to vector<16xi32>
    %mul3A_324 = arith.muli %iota3A, %mul3A_323 : vector<16xi32>
    %add3A_325 = arith.constant 304 : i32
    %add3A_326 = vector.broadcast %add3A_325 : i32 to vector<16xi32>
    %add3A_327 = arith.addi %mul3A_324, %add3A_326 : vector<16xi32>
    %mul3A_328 = arith.constant 37 : i32
    %mul3A_329 = arith.muli %add3A, %mul3A_328 : i32
    %add3A_330 = vector.broadcast %mul3A_329 : i32 to vector<16xi32>
    %add3A_331 = arith.addi %add3A_327, %add3A_330 : vector<16xi32>
    %and3A_332 = arith.constant 2047 : i32
    %and3A_333 = vector.broadcast %and3A_332 : i32 to vector<16xi32>
    %and3A_334 = arith.andi %add3A_331, %and3A_333 : vector<16xi32>
    %swap3A_335 = arith.constant 2 : i32
    %swap3A_336 = arith.index_cast %swap3A_335 : i32 to index
    %swap3A_337 = arith.constant 48 : index
    %swap3A_338 = tpu.vector_load %arg5[%swap3A_336, %swap3A_337] {strides = array<i32>} : memref<4x128xi32, #tpu.memory_space<vmem>>, vector<16xi32>,
    tpu.vector_store %arg5[%swap3A_336, %swap3A_337], %and3A_334 {strides = array<i32>} : memref<4x128xi32, #tpu.memory_space<vmem>>, vector<16xi32>,
    %mul3A_339 = arith.constant 997 : i32
    %mul3A_340 = vector.broadcast %mul3A_339 : i32 to vector<16xi32>
    %mul3A_341 = arith.muli %iota3A, %mul3A_340 : vector<16xi32>
    %add3A_342 = arith.constant 320 : i32
    %add3A_343 = vector.broadcast %add3A_342 : i32 to vector<16xi32>
    %add3A_344 = arith.addi %mul3A_341, %add3A_343 : vector<16xi32>
    %mul3A_345 = arith.constant 37 : i32
    %mul3A_346 = arith.muli %add3A, %mul3A_345 : i32
    %add3A_347 = vector.broadcast %mul3A_346 : i32 to vector<16xi32>
    %add3A_348 = arith.addi %add3A_344, %add3A_347 : vector<16xi32>
    %and3A_349 = arith.constant 2047 : i32
    %and3A_350 = vector.broadcast %and3A_349 : i32 to vector<16xi32>
    %and3A_351 = arith.andi %add3A_348, %and3A_350 : vector<16xi32>
    %swap3A_352 = arith.constant 2 : i32
    %swap3A_353 = arith.index_cast %swap3A_352 : i32 to index
    %swap3A_354 = arith.constant 64 : index
    %swap3A_355 = tpu.vector_load %arg5[%swap3A_353, %swap3A_354] {strides = array<i32>} : memref<4x128xi32, #tpu.memory_space<vmem>>, vector<16xi32>,
    tpu.vector_store %arg5[%swap3A_353, %swap3A_354], %and3A_351 {strides = array<i32>} : memref<4x128xi32, #tpu.memory_space<vmem>>, vector<16xi32>,
    %mul3A_356 = arith.constant 997 : i32
    %mul3A_357 = vector.broadcast %mul3A_356 : i32 to vector<16xi32>
    %mul3A_358 = arith.muli %iota3A, %mul3A_357 : vector<16xi32>
    %add3A_359 = arith.constant 336 : i32
    %add3A_360 = vector.broadcast %add3A_359 : i32 to vector<16xi32>
    %add3A_361 = arith.addi %mul3A_358, %add3A_360 : vector<16xi32>
    %mul3A_362 = arith.constant 37 : i32
    %mul3A_363 = arith.muli %add3A, %mul3A_362 : i32
    %add3A_364 = vector.broadcast %mul3A_363 : i32 to vector<16xi32>
    %add3A_365 = arith.addi %add3A_361, %add3A_364 : vector<16xi32>
    %and3A_366 = arith.constant 2047 : i32
    %and3A_367 = vector.broadcast %and3A_366 : i32 to vector<16xi32>
    %and3A_368 = arith.andi %add3A_365, %and3A_367 : vector<16xi32>
    %swap3A_369 = arith.constant 2 : i32
    %swap3A_370 = arith.index_cast %swap3A_369 : i32 to index
    %swap3A_371 = arith.constant 80 : index
    %swap3A_372 = tpu.vector_load %arg5[%swap3A_370, %swap3A_371] {strides = array<i32>} : memref<4x128xi32, #tpu.memory_space<vmem>>, vector<16xi32>,
    tpu.vector_store %arg5[%swap3A_370, %swap3A_371], %and3A_368 {strides = array<i32>} : memref<4x128xi32, #tpu.memory_space<vmem>>, vector<16xi32>,
    %mul3A_373 = arith.constant 997 : i32
    %mul3A_374 = vector.broadcast %mul3A_373 : i32 to vector<16xi32>
    %mul3A_375 = arith.muli %iota3A, %mul3A_374 : vector<16xi32>
    %add3A_376 = arith.constant 352 : i32
    %add3A_377 = vector.broadcast %add3A_376 : i32 to vector<16xi32>
    %add3A_378 = arith.addi %mul3A_375, %add3A_377 : vector<16xi32>
    %mul3A_379 = arith.constant 37 : i32
    %mul3A_380 = arith.muli %add3A, %mul3A_379 : i32
    %add3A_381 = vector.broadcast %mul3A_380 : i32 to vector<16xi32>
    %add3A_382 = arith.addi %add3A_378, %add3A_381 : vector<16xi32>
    %and3A_383 = arith.constant 2047 : i32
    %and3A_384 = vector.broadcast %and3A_383 : i32 to vector<16xi32>
    %and3A_385 = arith.andi %add3A_382, %and3A_384 : vector<16xi32>
    %swap3A_386 = arith.constant 2 : i32
    %swap3A_387 = arith.index_cast %swap3A_386 : i32 to index
    %swap3A_388 = arith.constant 96 : index
    %swap3A_389 = tpu.vector_load %arg5[%swap3A_387, %swap3A_388] {strides = array<i32>} : memref<4x128xi32, #tpu.memory_space<vmem>>, vector<16xi32>,
    tpu.vector_store %arg5[%swap3A_387, %swap3A_388], %and3A_385 {strides = array<i32>} : memref<4x128xi32, #tpu.memory_space<vmem>>, vector<16xi32>,
    %mul3A_390 = arith.constant 997 : i32
    %mul3A_391 = vector.broadcast %mul3A_390 : i32 to vector<16xi32>
    %mul3A_392 = arith.muli %iota3A, %mul3A_391 : vector<16xi32>
    %add3A_393 = arith.constant 368 : i32
    %add3A_394 = vector.broadcast %add3A_393 : i32 to vector<16xi32>
    %add3A_395 = arith.addi %mul3A_392, %add3A_394 : vector<16xi32>
    %mul3A_396 = arith.constant 37 : i32
    %mul3A_397 = arith.muli %add3A, %mul3A_396 : i32
    %add3A_398 = vector.broadcast %mul3A_397 : i32 to vector<16xi32>
    %add3A_399 = arith.addi %add3A_395, %add3A_398 : vector<16xi32>
    %and3A_400 = arith.constant 2047 : i32
    %and3A_401 = vector.broadcast %and3A_400 : i32 to vector<16xi32>
    %and3A_402 = arith.andi %add3A_399, %and3A_401 : vector<16xi32>
    %swap3A_403 = arith.constant 2 : i32
    %swap3A_404 = arith.index_cast %swap3A_403 : i32 to index
    %swap3A_405 = arith.constant 112 : index
    %swap3A_406 = tpu.vector_load %arg5[%swap3A_404, %swap3A_405] {strides = array<i32>} : memref<4x128xi32, #tpu.memory_space<vmem>>, vector<16xi32>,
    tpu.vector_store %arg5[%swap3A_404, %swap3A_405], %and3A_402 {strides = array<i32>} : memref<4x128xi32, #tpu.memory_space<vmem>>, vector<16xi32>,
    %mul3A_407 = arith.constant 997 : i32
    %mul3A_408 = vector.broadcast %mul3A_407 : i32 to vector<16xi32>
    %mul3A_409 = arith.muli %iota3A, %mul3A_408 : vector<16xi32>
    %add3A_410 = arith.constant 384 : i32
    %add3A_411 = vector.broadcast %add3A_410 : i32 to vector<16xi32>
    %add3A_412 = arith.addi %mul3A_409, %add3A_411 : vector<16xi32>
    %mul3A_413 = arith.constant 37 : i32
    %mul3A_414 = arith.muli %add3A, %mul3A_413 : i32
    %add3A_415 = vector.broadcast %mul3A_414 : i32 to vector<16xi32>
    %add3A_416 = arith.addi %add3A_412, %add3A_415 : vector<16xi32>
    %and3A_417 = arith.constant 2047 : i32
    %and3A_418 = vector.broadcast %and3A_417 : i32 to vector<16xi32>
    %and3A_419 = arith.andi %add3A_416, %and3A_418 : vector<16xi32>
    %swap3A_420 = arith.constant 3 : i32
    %swap3A_421 = arith.index_cast %swap3A_420 : i32 to index
    %swap3A_422 = arith.constant 0 : index
    %swap3A_423 = tpu.vector_load %arg5[%swap3A_421, %swap3A_422] {strides = array<i32>} : memref<4x128xi32, #tpu.memory_space<vmem>>, vector<16xi32>,
    tpu.vector_store %arg5[%swap3A_421, %swap3A_422], %and3A_419 {strides = array<i32>} : memref<4x128xi32, #tpu.memory_space<vmem>>, vector<16xi32>,
    %mul3A_424 = arith.constant 997 : i32
    %mul3A_425 = vector.broadcast %mul3A_424 : i32 to vector<16xi32>
    %mul3A_426 = arith.muli %iota3A, %mul3A_425 : vector<16xi32>
    %add3A_427 = arith.constant 400 : i32
    %add3A_428 = vector.broadcast %add3A_427 : i32 to vector<16xi32>
    %add3A_429 = arith.addi %mul3A_426, %add3A_428 : vector<16xi32>
    %mul3A_430 = arith.constant 37 : i32
    %mul3A_431 = arith.muli %add3A, %mul3A_430 : i32
    %add3A_432 = vector.broadcast %mul3A_431 : i32 to vector<16xi32>
    %add3A_433 = arith.addi %add3A_429, %add3A_432 : vector<16xi32>
    %and3A_434 = arith.constant 2047 : i32
    %and3A_435 = vector.broadcast %and3A_434 : i32 to vector<16xi32>
    %and3A_436 = arith.andi %add3A_433, %and3A_435 : vector<16xi32>
    %swap3A_437 = arith.constant 3 : i32
    %swap3A_438 = arith.index_cast %swap3A_437 : i32 to index
    %swap3A_439 = arith.constant 16 : index
    %swap3A_440 = tpu.vector_load %arg5[%swap3A_438, %swap3A_439] {strides = array<i32>} : memref<4x128xi32, #tpu.memory_space<vmem>>, vector<16xi32>,
    tpu.vector_store %arg5[%swap3A_438, %swap3A_439], %and3A_436 {strides = array<i32>} : memref<4x128xi32, #tpu.memory_space<vmem>>, vector<16xi32>,
    %mul3A_441 = arith.constant 997 : i32
    %mul3A_442 = vector.broadcast %mul3A_441 : i32 to vector<16xi32>
    %mul3A_443 = arith.muli %iota3A, %mul3A_442 : vector<16xi32>
    %add3A_444 = arith.constant 416 : i32
    %add3A_445 = vector.broadcast %add3A_444 : i32 to vector<16xi32>
    %add3A_446 = arith.addi %mul3A_443, %add3A_445 : vector<16xi32>
    %mul3A_447 = arith.constant 37 : i32
    %mul3A_448 = arith.muli %add3A, %mul3A_447 : i32
    %add3A_449 = vector.broadcast %mul3A_448 : i32 to vector<16xi32>
    %add3A_450 = arith.addi %add3A_446, %add3A_449 : vector<16xi32>
    %and3A_451 = arith.constant 2047 : i32
    %and3A_452 = vector.broadcast %and3A_451 : i32 to vector<16xi32>
    %and3A_453 = arith.andi %add3A_450, %and3A_452 : vector<16xi32>
    %swap3A_454 = arith.constant 3 : i32
    %swap3A_455 = arith.index_cast %swap3A_454 : i32 to index
    %swap3A_456 = arith.constant 32 : index
    %swap3A_457 = tpu.vector_load %arg5[%swap3A_455, %swap3A_456] {strides = array<i32>} : memref<4x128xi32, #tpu.memory_space<vmem>>, vector<16xi32>,
    tpu.vector_store %arg5[%swap3A_455, %swap3A_456], %and3A_453 {strides = array<i32>} : memref<4x128xi32, #tpu.memory_space<vmem>>, vector<16xi32>,
    %mul3A_458 = arith.constant 997 : i32
    %mul3A_459 = vector.broadcast %mul3A_458 : i32 to vector<16xi32>
    %mul3A_460 = arith.muli %iota3A, %mul3A_459 : vector<16xi32>
    %add3A_461 = arith.constant 432 : i32
    %add3A_462 = vector.broadcast %add3A_461 : i32 to vector<16xi32>
    %add3A_463 = arith.addi %mul3A_460, %add3A_462 : vector<16xi32>
    %mul3A_464 = arith.constant 37 : i32
    %mul3A_465 = arith.muli %add3A, %mul3A_464 : i32
    %add3A_466 = vector.broadcast %mul3A_465 : i32 to vector<16xi32>
    %add3A_467 = arith.addi %add3A_463, %add3A_466 : vector<16xi32>
    %and3A_468 = arith.constant 2047 : i32
    %and3A_469 = vector.broadcast %and3A_468 : i32 to vector<16xi32>
    %and3A_470 = arith.andi %add3A_467, %and3A_469 : vector<16xi32>
    %swap3A_471 = arith.constant 3 : i32
    %swap3A_472 = arith.index_cast %swap3A_471 : i32 to index
    %swap3A_473 = arith.constant 48 : index
    %swap3A_474 = tpu.vector_load %arg5[%swap3A_472, %swap3A_473] {strides = array<i32>} : memref<4x128xi32, #tpu.memory_space<vmem>>, vector<16xi32>,
    tpu.vector_store %arg5[%swap3A_472, %swap3A_473], %and3A_470 {strides = array<i32>} : memref<4x128xi32, #tpu.memory_space<vmem>>, vector<16xi32>,
    %mul3A_475 = arith.constant 997 : i32
    %mul3A_476 = vector.broadcast %mul3A_475 : i32 to vector<16xi32>
    %mul3A_477 = arith.muli %iota3A, %mul3A_476 : vector<16xi32>
    %add3A_478 = arith.constant 448 : i32
    %add3A_479 = vector.broadcast %add3A_478 : i32 to vector<16xi32>
    %add3A_480 = arith.addi %mul3A_477, %add3A_479 : vector<16xi32>
    %mul3A_481 = arith.constant 37 : i32
    %mul3A_482 = arith.muli %add3A, %mul3A_481 : i32
    %add3A_483 = vector.broadcast %mul3A_482 : i32 to vector<16xi32>
    %add3A_484 = arith.addi %add3A_480, %add3A_483 : vector<16xi32>
    %and3A_485 = arith.constant 2047 : i32
    %and3A_486 = vector.broadcast %and3A_485 : i32 to vector<16xi32>
    %and3A_487 = arith.andi %add3A_484, %and3A_486 : vector<16xi32>
    %swap3A_488 = arith.constant 3 : i32
    %swap3A_489 = arith.index_cast %swap3A_488 : i32 to index
    %swap3A_490 = arith.constant 64 : index
    %swap3A_491 = tpu.vector_load %arg5[%swap3A_489, %swap3A_490] {strides = array<i32>} : memref<4x128xi32, #tpu.memory_space<vmem>>, vector<16xi32>,
    tpu.vector_store %arg5[%swap3A_489, %swap3A_490], %and3A_487 {strides = array<i32>} : memref<4x128xi32, #tpu.memory_space<vmem>>, vector<16xi32>,
    %mul3A_492 = arith.constant 997 : i32
    %mul3A_493 = vector.broadcast %mul3A_492 : i32 to vector<16xi32>
    %mul3A_494 = arith.muli %iota3A, %mul3A_493 : vector<16xi32>
    %add3A_495 = arith.constant 464 : i32
    %add3A_496 = vector.broadcast %add3A_495 : i32 to vector<16xi32>
    %add3A_497 = arith.addi %mul3A_494, %add3A_496 : vector<16xi32>
    %mul3A_498 = arith.constant 37 : i32
    %mul3A_499 = arith.muli %add3A, %mul3A_498 : i32
    %add3A_500 = vector.broadcast %mul3A_499 : i32 to vector<16xi32>
    %add3A_501 = arith.addi %add3A_497, %add3A_500 : vector<16xi32>
    %and3A_502 = arith.constant 2047 : i32
    %and3A_503 = vector.broadcast %and3A_502 : i32 to vector<16xi32>
    %and3A_504 = arith.andi %add3A_501, %and3A_503 : vector<16xi32>
    %swap3A_505 = arith.constant 3 : i32
    %swap3A_506 = arith.index_cast %swap3A_505 : i32 to index
    %swap3A_507 = arith.constant 80 : index
    %swap3A_508 = tpu.vector_load %arg5[%swap3A_506, %swap3A_507] {strides = array<i32>} : memref<4x128xi32, #tpu.memory_space<vmem>>, vector<16xi32>,
    tpu.vector_store %arg5[%swap3A_506, %swap3A_507], %and3A_504 {strides = array<i32>} : memref<4x128xi32, #tpu.memory_space<vmem>>, vector<16xi32>,
    %mul3A_509 = arith.constant 997 : i32
    %mul3A_510 = vector.broadcast %mul3A_509 : i32 to vector<16xi32>
    %mul3A_511 = arith.muli %iota3A, %mul3A_510 : vector<16xi32>
    %add3A_512 = arith.constant 480 : i32
    %add3A_513 = vector.broadcast %add3A_512 : i32 to vector<16xi32>
    %add3A_514 = arith.addi %mul3A_511, %add3A_513 : vector<16xi32>
    %mul3A_515 = arith.constant 37 : i32
    %mul3A_516 = arith.muli %add3A, %mul3A_515 : i32
    %add3A_517 = vector.broadcast %mul3A_516 : i32 to vector<16xi32>
    %add3A_518 = arith.addi %add3A_514, %add3A_517 : vector<16xi32>
    %and3A_519 = arith.constant 2047 : i32
    %and3A_520 = vector.broadcast %and3A_519 : i32 to vector<16xi32>
    %and3A_521 = arith.andi %add3A_518, %and3A_520 : vector<16xi32>
    %swap3A_522 = arith.constant 3 : i32
    %swap3A_523 = arith.index_cast %swap3A_522 : i32 to index
    %swap3A_524 = arith.constant 96 : index
    %swap3A_525 = tpu.vector_load %arg5[%swap3A_523, %swap3A_524] {strides = array<i32>} : memref<4x128xi32, #tpu.memory_space<vmem>>, vector<16xi32>,
    tpu.vector_store %arg5[%swap3A_523, %swap3A_524], %and3A_521 {strides = array<i32>} : memref<4x128xi32, #tpu.memory_space<vmem>>, vector<16xi32>,
    %mul3A_526 = arith.constant 997 : i32
    %mul3A_527 = vector.broadcast %mul3A_526 : i32 to vector<16xi32>
    %mul3A_528 = arith.muli %iota3A, %mul3A_527 : vector<16xi32>
    %add3A_529 = arith.constant 496 : i32
    %add3A_530 = vector.broadcast %add3A_529 : i32 to vector<16xi32>
    %add3A_531 = arith.addi %mul3A_528, %add3A_530 : vector<16xi32>
    %mul3A_532 = arith.constant 37 : i32
    %mul3A_533 = arith.muli %add3A, %mul3A_532 : i32
    %add3A_534 = vector.broadcast %mul3A_533 : i32 to vector<16xi32>
    %add3A_535 = arith.addi %add3A_531, %add3A_534 : vector<16xi32>
    %and3A_536 = arith.constant 2047 : i32
    %and3A_537 = vector.broadcast %and3A_536 : i32 to vector<16xi32>
    %and3A_538 = arith.andi %add3A_535, %and3A_537 : vector<16xi32>
    %swap3A_539 = arith.constant 3 : i32
    %swap3A_540 = arith.index_cast %swap3A_539 : i32 to index
    %swap3A_541 = arith.constant 112 : index
    %swap3A_542 = tpu.vector_load %arg5[%swap3A_540, %swap3A_541] {strides = array<i32>} : memref<4x128xi32, #tpu.memory_space<vmem>>, vector<16xi32>,
    tpu.vector_store %arg5[%swap3A_540, %swap3A_541], %and3A_538 {strides = array<i32>} : memref<4x128xi32, #tpu.memory_space<vmem>>, vector<16xi32>,
    %and3A_543 = arith.constant 7 : i32
    %and3A_544 = arith.andi %add3A, %and3A_543 : i32
    %shift_right_arithmetic3A = arith.constant 3 : i32
    %shift_right_arithmetic3A_545 = arith.shrsi %add3A, %shift_right_arithmetic3A : i32
    %mul3A_546 = arith.constant 128 : i32
    %mul3A_547 = arith.muli %shift_right_arithmetic3A_545, %mul3A_546 : i32
    %multiple_of3A = tpu.assume_multiple %mul3A_547, 128 : i32
    %dma_start3A = arith.constant 0 : i32
    %dma_start3A_548 = arith.constant 0 : i32
    %dma_start3A_549 = arith.constant 0 : i32
    %dma_start3A_550 = arith.constant 0 : i32
    %dma_start3A_551 = tpu.memref_slice %arg6[%dma_start3A_548, %dma_start3A_549, %dma_start3A_550] : memref<512x1x128xf32, #tpu.memory_space<vmem>> -> memref<128x1x128xf32, #tpu.memory_space<vmem>>
    %dma_start3A_552 = arith.constant 0 : i32
    %dma_start3A_553 = tpu.memref_slice %arg5[%dma_start3A, %dma_start3A_552] : memref<4x128xi32, #tpu.memory_space<vmem>> -> memref<1x128xi32, #tpu.memory_space<vmem>>
    %dma_start3A_554 = tpu.memref_squeeze %dma_start3A_553 : memref<1x128xi32, #tpu.memory_space<vmem>> -> memref<128xi32, #tpu.memory_space<vmem>>
    %dma_start3A_555 = arith.constant 0 : i32
    %dma_start3A_556 = tpu.memref_slice %arg2[%dma_start3A_555, %and3A_544, %multiple_of3A] : memref<2048x8x1000xf32, #tpu.memory_space<hbm>> -> memref<2048x1x128xf32, #tpu.memory_space<hbm>>
    tpu.enqueue_indirect_dma source(%dma_start3A_556 : memref<2048x1x128xf32, #tpu.memory_space<hbm>>) target(%dma_start3A_551 : memref<128x1x128xf32, #tpu.memory_space<vmem>>) offsets(%dma_start3A_554 : memref<128xi32, #tpu.memory_space<vmem>>) semaphore(%arg8 : memref<!tpu.dma_semaphore, #tpu.memory_space<semaphore_mem>>)
    %dma_start3A_557 = arith.constant 1 : i32
    %dma_start3A_558 = arith.constant 128 : i32
    %dma_start3A_559 = arith.constant 0 : i32
    %dma_start3A_560 = arith.constant 0 : i32
    %dma_start3A_561 = tpu.memref_slice %arg6[%dma_start3A_558, %dma_start3A_559, %dma_start3A_560] : memref<512x1x128xf32, #tpu.memory_space<vmem>> -> memref<128x1x128xf32, #tpu.memory_space<vmem>>
    %dma_start3A_562 = arith.constant 0 : i32
    %dma_start3A_563 = tpu.memref_slice %arg5[%dma_start3A_557, %dma_start3A_562] : memref<4x128xi32, #tpu.memory_space<vmem>> -> memref<1x128xi32, #tpu.memory_space<vmem>>
    %dma_start3A_564 = tpu.memref_squeeze %dma_start3A_563 : memref<1x128xi32, #tpu.memory_space<vmem>> -> memref<128xi32, #tpu.memory_space<vmem>>
    %dma_start3A_565 = arith.constant 0 : i32
    %dma_start3A_566 = tpu.memref_slice %arg2[%dma_start3A_565, %and3A_544, %multiple_of3A] : memref<2048x8x1000xf32, #tpu.memory_space<hbm>> -> memref<2048x1x128xf32, #tpu.memory_space<hbm>>
    tpu.enqueue_indirect_dma source(%dma_start3A_566 : memref<2048x1x128xf32, #tpu.memory_space<hbm>>) target(%dma_start3A_561 : memref<128x1x128xf32, #tpu.memory_space<vmem>>) offsets(%dma_start3A_564 : memref<128xi32, #tpu.memory_space<vmem>>) semaphore(%arg8 : memref<!tpu.dma_semaphore, #tpu.memory_space<semaphore_mem>>)
    %dma_start3A_567 = arith.constant 2 : i32
    %dma_start3A_568 = arith.constant 256 : i32
    %dma_start3A_569 = arith.constant 0 : i32
    %dma_start3A_570 = arith.constant 0 : i32
    %dma_start3A_571 = tpu.memref_slice %arg6[%dma_start3A_568, %dma_start3A_569, %dma_start3A_570] : memref<512x1x128xf32, #tpu.memory_space<vmem>> -> memref<128x1x128xf32, #tpu.memory_space<vmem>>
    %dma_start3A_572 = arith.constant 0 : i32
    %dma_start3A_573 = tpu.memref_slice %arg5[%dma_start3A_567, %dma_start3A_572] : memref<4x128xi32, #tpu.memory_space<vmem>> -> memref<1x128xi32, #tpu.memory_space<vmem>>
    %dma_start3A_574 = tpu.memref_squeeze %dma_start3A_573 : memref<1x128xi32, #tpu.memory_space<vmem>> -> memref<128xi32, #tpu.memory_space<vmem>>
    %dma_start3A_575 = arith.constant 0 : i32
    %dma_start3A_576 = tpu.memref_slice %arg2[%dma_start3A_575, %and3A_544, %multiple_of3A] : memref<2048x8x1000xf32, #tpu.memory_space<hbm>> -> memref<2048x1x128xf32, #tpu.memory_space<hbm>>
    tpu.enqueue_indirect_dma source(%dma_start3A_576 : memref<2048x1x128xf32, #tpu.memory_space<hbm>>) target(%dma_start3A_571 : memref<128x1x128xf32, #tpu.memory_space<vmem>>) offsets(%dma_start3A_574 : memref<128xi32, #tpu.memory_space<vmem>>) semaphore(%arg8 : memref<!tpu.dma_semaphore, #tpu.memory_space<semaphore_mem>>)
    %dma_start3A_577 = arith.constant 3 : i32
    %dma_start3A_578 = arith.constant 384 : i32
    %dma_start3A_579 = arith.constant 0 : i32
    %dma_start3A_580 = arith.constant 0 : i32
    %dma_start3A_581 = tpu.memref_slice %arg6[%dma_start3A_578, %dma_start3A_579, %dma_start3A_580] : memref<512x1x128xf32, #tpu.memory_space<vmem>> -> memref<128x1x128xf32, #tpu.memory_space<vmem>>
    %dma_start3A_582 = arith.constant 0 : i32
    %dma_start3A_583 = tpu.memref_slice %arg5[%dma_start3A_577, %dma_start3A_582] : memref<4x128xi32, #tpu.memory_space<vmem>> -> memref<1x128xi32, #tpu.memory_space<vmem>>
    %dma_start3A_584 = tpu.memref_squeeze %dma_start3A_583 : memref<1x128xi32, #tpu.memory_space<vmem>> -> memref<128xi32, #tpu.memory_space<vmem>>
    %dma_start3A_585 = arith.constant 0 : i32
    %dma_start3A_586 = tpu.memref_slice %arg2[%dma_start3A_585, %and3A_544, %multiple_of3A] : memref<2048x8x1000xf32, #tpu.memory_space<hbm>> -> memref<2048x1x128xf32, #tpu.memory_space<hbm>>
    tpu.enqueue_indirect_dma source(%dma_start3A_586 : memref<2048x1x128xf32, #tpu.memory_space<hbm>>) target(%dma_start3A_581 : memref<128x1x128xf32, #tpu.memory_space<vmem>>) offsets(%dma_start3A_584 : memref<128xi32, #tpu.memory_space<vmem>>) semaphore(%arg8 : memref<!tpu.dma_semaphore, #tpu.memory_space<semaphore_mem>>)
    %dma_wait3A = arith.constant 0 : i32
    %dma_wait3A_587 = arith.constant 0 : i32
    %dma_wait3A_588 = arith.constant 0 : i32
    %dma_wait3A_589 = arith.constant 0 : i32
    %dma_wait3A_590 = tpu.memref_slice %arg6[%dma_wait3A_587, %dma_wait3A_588, %dma_wait3A_589] : memref<512x1x128xf32, #tpu.memory_space<vmem>> -> memref<128x1x128xf32, #tpu.memory_space<vmem>>
    %dma_wait3A_591 = arith.constant 0 : i32
    %dma_wait3A_592 = tpu.memref_slice %arg5[%dma_wait3A, %dma_wait3A_591] : memref<4x128xi32, #tpu.memory_space<vmem>> -> memref<1x128xi32, #tpu.memory_space<vmem>>
    %dma_wait3A_593 = tpu.memref_squeeze %dma_wait3A_592 : memref<1x128xi32, #tpu.memory_space<vmem>> -> memref<128xi32, #tpu.memory_space<vmem>>
    %dma_wait3A_594 = arith.constant 0 : i32
    %dma_wait3A_595 = tpu.memref_slice %arg2[%dma_wait3A_594, %and3A_544, %multiple_of3A] : memref<2048x8x1000xf32, #tpu.memory_space<hbm>> -> memref<2048x1x128xf32, #tpu.memory_space<hbm>>
    tpu.wait_indirect_dma semaphore(%arg8 : memref<!tpu.dma_semaphore, #tpu.memory_space<semaphore_mem>>) src(%dma_wait3A_595 : memref<2048x1x128xf32, #tpu.memory_space<hbm>>) dst(%dma_wait3A_590 : memref<128x1x128xf32, #tpu.memory_space<vmem>>)
    %dma_wait3A_596 = arith.constant 1 : i32
    %dma_wait3A_597 = arith.constant 128 : i32
    %dma_wait3A_598 = arith.constant 0 : i32
    %dma_wait3A_599 = arith.constant 0 : i32
    %dma_wait3A_600 = tpu.memref_slice %arg6[%dma_wait3A_597, %dma_wait3A_598, %dma_wait3A_599] : memref<512x1x128xf32, #tpu.memory_space<vmem>> -> memref<128x1x128xf32, #tpu.memory_space<vmem>>
    %dma_wait3A_601 = arith.constant 0 : i32
    %dma_wait3A_602 = tpu.memref_slice %arg5[%dma_wait3A_596, %dma_wait3A_601] : memref<4x128xi32, #tpu.memory_space<vmem>> -> memref<1x128xi32, #tpu.memory_space<vmem>>
    %dma_wait3A_603 = tpu.memref_squeeze %dma_wait3A_602 : memref<1x128xi32, #tpu.memory_space<vmem>> -> memref<128xi32, #tpu.memory_space<vmem>>
    %dma_wait3A_604 = arith.constant 0 : i32
    %dma_wait3A_605 = tpu.memref_slice %arg2[%dma_wait3A_604, %and3A_544, %multiple_of3A] : memref<2048x8x1000xf32, #tpu.memory_space<hbm>> -> memref<2048x1x128xf32, #tpu.memory_space<hbm>>
    tpu.wait_indirect_dma semaphore(%arg8 : memref<!tpu.dma_semaphore, #tpu.memory_space<semaphore_mem>>) src(%dma_wait3A_605 : memref<2048x1x128xf32, #tpu.memory_space<hbm>>) dst(%dma_wait3A_600 : memref<128x1x128xf32, #tpu.memory_space<vmem>>)
    %dma_wait3A_606 = arith.constant 2 : i32
    %dma_wait3A_607 = arith.constant 256 : i32
    %dma_wait3A_608 = arith.constant 0 : i32
    %dma_wait3A_609 = arith.constant 0 : i32
    %dma_wait3A_610 = tpu.memref_slice %arg6[%dma_wait3A_607, %dma_wait3A_608, %dma_wait3A_609] : memref<512x1x128xf32, #tpu.memory_space<vmem>> -> memref<128x1x128xf32, #tpu.memory_space<vmem>>
    %dma_wait3A_611 = arith.constant 0 : i32
    %dma_wait3A_612 = tpu.memref_slice %arg5[%dma_wait3A_606, %dma_wait3A_611] : memref<4x128xi32, #tpu.memory_space<vmem>> -> memref<1x128xi32, #tpu.memory_space<vmem>>
    %dma_wait3A_613 = tpu.memref_squeeze %dma_wait3A_612 : memref<1x128xi32, #tpu.memory_space<vmem>> -> memref<128xi32, #tpu.memory_space<vmem>>
    %dma_wait3A_614 = arith.constant 0 : i32
    %dma_wait3A_615 = tpu.memref_slice %arg2[%dma_wait3A_614, %and3A_544, %multiple_of3A] : memref<2048x8x1000xf32, #tpu.memory_space<hbm>> -> memref<2048x1x128xf32, #tpu.memory_space<hbm>>
    tpu.wait_indirect_dma semaphore(%arg8 : memref<!tpu.dma_semaphore, #tpu.memory_space<semaphore_mem>>) src(%dma_wait3A_615 : memref<2048x1x128xf32, #tpu.memory_space<hbm>>) dst(%dma_wait3A_610 : memref<128x1x128xf32, #tpu.memory_space<vmem>>)
    %dma_wait3A_616 = arith.constant 3 : i32
    %dma_wait3A_617 = arith.constant 384 : i32
    %dma_wait3A_618 = arith.constant 0 : i32
    %dma_wait3A_619 = arith.constant 0 : i32
    %dma_wait3A_620 = tpu.memref_slice %arg6[%dma_wait3A_617, %dma_wait3A_618, %dma_wait3A_619] : memref<512x1x128xf32, #tpu.memory_space<vmem>> -> memref<128x1x128xf32, #tpu.memory_space<vmem>>
    %dma_wait3A_621 = arith.constant 0 : i32
    %dma_wait3A_622 = tpu.memref_slice %arg5[%dma_wait3A_616, %dma_wait3A_621] : memref<4x128xi32, #tpu.memory_space<vmem>> -> memref<1x128xi32, #tpu.memory_space<vmem>>
    %dma_wait3A_623 = tpu.memref_squeeze %dma_wait3A_622 : memref<1x128xi32, #tpu.memory_space<vmem>> -> memref<128xi32, #tpu.memory_space<vmem>>
    %dma_wait3A_624 = arith.constant 0 : i32
    %dma_wait3A_625 = tpu.memref_slice %arg2[%dma_wait3A_624, %and3A_544, %multiple_of3A] : memref<2048x8x1000xf32, #tpu.memory_space<hbm>> -> memref<2048x1x128xf32, #tpu.memory_space<hbm>>
    tpu.wait_indirect_dma semaphore(%arg8 : memref<!tpu.dma_semaphore, #tpu.memory_space<semaphore_mem>>) src(%dma_wait3A_625 : memref<2048x1x128xf32, #tpu.memory_space<hbm>>) dst(%dma_wait3A_620 : memref<128x1x128xf32, #tpu.memory_space<vmem>>)
    %add3A_626 = arith.constant 0 : i32
    %add3A_627 = vector.broadcast %add3A_626 : i32 to vector<16xi32>
    %add3A_628 = arith.addi %iota3A, %add3A_627 : vector<16xi32>
    %gather3A = tpu.memref_reshape %arg6 : memref<512x1x128xf32, #tpu.memory_space<vmem>> -> memref<512x128xf32, #tpu.memory_space<vmem>>
    %gather3A_629 = tpu.vector_load_idx %gather3A[%add3A_628, %iota3A] : memref<512x128xf32, #tpu.memory_space<vmem>>[vector<16xi32>, vector<16xi32>], vector<16xf32>,
    %swap3A_630 = arith.constant 0 : i32
    %swap3A_631 = arith.index_cast %swap3A_630 : i32 to index
    %swap3A_632 = arith.constant 0 : index
    %swap3A_633 = tpu.vector_load %arg7[%swap3A_631, %swap3A_632] {strides = array<i32>} : memref<4x128xf32, #tpu.memory_space<vmem>>, vector<16xf32>,
    tpu.vector_store %arg7[%swap3A_631, %swap3A_632], %gather3A_629 {strides = array<i32>} : memref<4x128xf32, #tpu.memory_space<vmem>>, vector<16xf32>,
    %add3A_634 = arith.constant 16 : i32
    %add3A_635 = vector.broadcast %add3A_634 : i32 to vector<16xi32>
    %add3A_636 = arith.addi %iota3A, %add3A_635 : vector<16xi32>
    %gather3A_637 = tpu.memref_reshape %arg6 : memref<512x1x128xf32, #tpu.memory_space<vmem>> -> memref<512x128xf32, #tpu.memory_space<vmem>>
    %gather3A_638 = tpu.vector_load_idx %gather3A_637[%add3A_636, %iota3A] : memref<512x128xf32, #tpu.memory_space<vmem>>[vector<16xi32>, vector<16xi32>], vector<16xf32>,
    %swap3A_639 = arith.constant 0 : i32
    %swap3A_640 = arith.index_cast %swap3A_639 : i32 to index
    %swap3A_641 = arith.constant 16 : index
    %swap3A_642 = tpu.vector_load %arg7[%swap3A_640, %swap3A_641] {strides = array<i32>} : memref<4x128xf32, #tpu.memory_space<vmem>>, vector<16xf32>,
    tpu.vector_store %arg7[%swap3A_640, %swap3A_641], %gather3A_638 {strides = array<i32>} : memref<4x128xf32, #tpu.memory_space<vmem>>, vector<16xf32>,
    %add3A_643 = arith.constant 32 : i32
    %add3A_644 = vector.broadcast %add3A_643 : i32 to vector<16xi32>
    %add3A_645 = arith.addi %iota3A, %add3A_644 : vector<16xi32>
    %gather3A_646 = tpu.memref_reshape %arg6 : memref<512x1x128xf32, #tpu.memory_space<vmem>> -> memref<512x128xf32, #tpu.memory_space<vmem>>
    %gather3A_647 = tpu.vector_load_idx %gather3A_646[%add3A_645, %iota3A] : memref<512x128xf32, #tpu.memory_space<vmem>>[vector<16xi32>, vector<16xi32>], vector<16xf32>,
    %swap3A_648 = arith.constant 0 : i32
    %swap3A_649 = arith.index_cast %swap3A_648 : i32 to index
    %swap3A_650 = arith.constant 32 : index
    %swap3A_651 = tpu.vector_load %arg7[%swap3A_649, %swap3A_650] {strides = array<i32>} : memref<4x128xf32, #tpu.memory_space<vmem>>, vector<16xf32>,
    tpu.vector_store %arg7[%swap3A_649, %swap3A_650], %gather3A_647 {strides = array<i32>} : memref<4x128xf32, #tpu.memory_space<vmem>>, vector<16xf32>,
    %add3A_652 = arith.constant 48 : i32
    %add3A_653 = vector.broadcast %add3A_652 : i32 to vector<16xi32>
    %add3A_654 = arith.addi %iota3A, %add3A_653 : vector<16xi32>
    %gather3A_655 = tpu.memref_reshape %arg6 : memref<512x1x128xf32, #tpu.memory_space<vmem>> -> memref<512x128xf32, #tpu.memory_space<vmem>>
    %gather3A_656 = tpu.vector_load_idx %gather3A_655[%add3A_654, %iota3A] : memref<512x128xf32, #tpu.memory_space<vmem>>[vector<16xi32>, vector<16xi32>], vector<16xf32>,
    %swap3A_657 = arith.constant 0 : i32
    %swap3A_658 = arith.index_cast %swap3A_657 : i32 to index
    %swap3A_659 = arith.constant 48 : index
    %swap3A_660 = tpu.vector_load %arg7[%swap3A_658, %swap3A_659] {strides = array<i32>} : memref<4x128xf32, #tpu.memory_space<vmem>>, vector<16xf32>,
    tpu.vector_store %arg7[%swap3A_658, %swap3A_659], %gather3A_656 {strides = array<i32>} : memref<4x128xf32, #tpu.memory_space<vmem>>, vector<16xf32>,
    %add3A_661 = arith.constant 64 : i32
    %add3A_662 = vector.broadcast %add3A_661 : i32 to vector<16xi32>
    %add3A_663 = arith.addi %iota3A, %add3A_662 : vector<16xi32>
    %gather3A_664 = tpu.memref_reshape %arg6 : memref<512x1x128xf32, #tpu.memory_space<vmem>> -> memref<512x128xf32, #tpu.memory_space<vmem>>
    %gather3A_665 = tpu.vector_load_idx %gather3A_664[%add3A_663, %iota3A] : memref<512x128xf32, #tpu.memory_space<vmem>>[vector<16xi32>, vector<16xi32>], vector<16xf32>,
    %swap3A_666 = arith.constant 0 : i32
    %swap3A_667 = arith.index_cast %swap3A_666 : i32 to index
    %swap3A_668 = arith.constant 64 : index
    %swap3A_669 = tpu.vector_load %arg7[%swap3A_667, %swap3A_668] {strides = array<i32>} : memref<4x128xf32, #tpu.memory_space<vmem>>, vector<16xf32>,
    tpu.vector_store %arg7[%swap3A_667, %swap3A_668], %gather3A_665 {strides = array<i32>} : memref<4x128xf32, #tpu.memory_space<vmem>>, vector<16xf32>,
    %add3A_670 = arith.constant 80 : i32
    %add3A_671 = vector.broadcast %add3A_670 : i32 to vector<16xi32>
    %add3A_672 = arith.addi %iota3A, %add3A_671 : vector<16xi32>
    %gather3A_673 = tpu.memref_reshape %arg6 : memref<512x1x128xf32, #tpu.memory_space<vmem>> -> memref<512x128xf32, #tpu.memory_space<vmem>>
    %gather3A_674 = tpu.vector_load_idx %gather3A_673[%add3A_672, %iota3A] : memref<512x128xf32, #tpu.memory_space<vmem>>[vector<16xi32>, vector<16xi32>], vector<16xf32>,
    %swap3A_675 = arith.constant 0 : i32
    %swap3A_676 = arith.index_cast %swap3A_675 : i32 to index
    %swap3A_677 = arith.constant 80 : index
    %swap3A_678 = tpu.vector_load %arg7[%swap3A_676, %swap3A_677] {strides = array<i32>} : memref<4x128xf32, #tpu.memory_space<vmem>>, vector<16xf32>,
    tpu.vector_store %arg7[%swap3A_676, %swap3A_677], %gather3A_674 {strides = array<i32>} : memref<4x128xf32, #tpu.memory_space<vmem>>, vector<16xf32>,
    %add3A_679 = arith.constant 96 : i32
    %add3A_680 = vector.broadcast %add3A_679 : i32 to vector<16xi32>
    %add3A_681 = arith.addi %iota3A, %add3A_680 : vector<16xi32>
    %gather3A_682 = tpu.memref_reshape %arg6 : memref<512x1x128xf32, #tpu.memory_space<vmem>> -> memref<512x128xf32, #tpu.memory_space<vmem>>
    %gather3A_683 = tpu.vector_load_idx %gather3A_682[%add3A_681, %iota3A] : memref<512x128xf32, #tpu.memory_space<vmem>>[vector<16xi32>, vector<16xi32>], vector<16xf32>,
    %swap3A_684 = arith.constant 0 : i32
    %swap3A_685 = arith.index_cast %swap3A_684 : i32 to index
    %swap3A_686 = arith.constant 96 : index
    %swap3A_687 = tpu.vector_load %arg7[%swap3A_685, %swap3A_686] {strides = array<i32>} : memref<4x128xf32, #tpu.memory_space<vmem>>, vector<16xf32>,
    tpu.vector_store %arg7[%swap3A_685, %swap3A_686], %gather3A_683 {strides = array<i32>} : memref<4x128xf32, #tpu.memory_space<vmem>>, vector<16xf32>,
    %add3A_688 = arith.constant 112 : i32
    %add3A_689 = vector.broadcast %add3A_688 : i32 to vector<16xi32>
    %add3A_690 = arith.addi %iota3A, %add3A_689 : vector<16xi32>
    %gather3A_691 = tpu.memref_reshape %arg6 : memref<512x1x128xf32, #tpu.memory_space<vmem>> -> memref<512x128xf32, #tpu.memory_space<vmem>>
    %gather3A_692 = tpu.vector_load_idx %gather3A_691[%add3A_690, %iota3A] : memref<512x128xf32, #tpu.memory_space<vmem>>[vector<16xi32>, vector<16xi32>], vector<16xf32>,
    %swap3A_693 = arith.constant 0 : i32
    %swap3A_694 = arith.index_cast %swap3A_693 : i32 to index
    %swap3A_695 = arith.constant 112 : index
    %swap3A_696 = tpu.vector_load %arg7[%swap3A_694, %swap3A_695] {strides = array<i32>} : memref<4x128xf32, #tpu.memory_space<vmem>>, vector<16xf32>,
    tpu.vector_store %arg7[%swap3A_694, %swap3A_695], %gather3A_692 {strides = array<i32>} : memref<4x128xf32, #tpu.memory_space<vmem>>, vector<16xf32>,
    %add3A_697 = arith.constant 128 : i32
    %add3A_698 = vector.broadcast %add3A_697 : i32 to vector<16xi32>
    %add3A_699 = arith.addi %iota3A, %add3A_698 : vector<16xi32>
    %gather3A_700 = tpu.memref_reshape %arg6 : memref<512x1x128xf32, #tpu.memory_space<vmem>> -> memref<512x128xf32, #tpu.memory_space<vmem>>
    %gather3A_701 = tpu.vector_load_idx %gather3A_700[%add3A_699, %iota3A] : memref<512x128xf32, #tpu.memory_space<vmem>>[vector<16xi32>, vector<16xi32>], vector<16xf32>,
    %swap3A_702 = arith.constant 1 : i32
    %swap3A_703 = arith.index_cast %swap3A_702 : i32 to index
    %swap3A_704 = arith.constant 0 : index
    %swap3A_705 = tpu.vector_load %arg7[%swap3A_703, %swap3A_704] {strides = array<i32>} : memref<4x128xf32, #tpu.memory_space<vmem>>, vector<16xf32>,
    tpu.vector_store %arg7[%swap3A_703, %swap3A_704], %gather3A_701 {strides = array<i32>} : memref<4x128xf32, #tpu.memory_space<vmem>>, vector<16xf32>,
    %add3A_706 = arith.constant 144 : i32
    %add3A_707 = vector.broadcast %add3A_706 : i32 to vector<16xi32>
    %add3A_708 = arith.addi %iota3A, %add3A_707 : vector<16xi32>
    %gather3A_709 = tpu.memref_reshape %arg6 : memref<512x1x128xf32, #tpu.memory_space<vmem>> -> memref<512x128xf32, #tpu.memory_space<vmem>>
    %gather3A_710 = tpu.vector_load_idx %gather3A_709[%add3A_708, %iota3A] : memref<512x128xf32, #tpu.memory_space<vmem>>[vector<16xi32>, vector<16xi32>], vector<16xf32>,
    %swap3A_711 = arith.constant 1 : i32
    %swap3A_712 = arith.index_cast %swap3A_711 : i32 to index
    %swap3A_713 = arith.constant 16 : index
    %swap3A_714 = tpu.vector_load %arg7[%swap3A_712, %swap3A_713] {strides = array<i32>} : memref<4x128xf32, #tpu.memory_space<vmem>>, vector<16xf32>,
    tpu.vector_store %arg7[%swap3A_712, %swap3A_713], %gather3A_710 {strides = array<i32>} : memref<4x128xf32, #tpu.memory_space<vmem>>, vector<16xf32>,
    %add3A_715 = arith.constant 160 : i32
    %add3A_716 = vector.broadcast %add3A_715 : i32 to vector<16xi32>
    %add3A_717 = arith.addi %iota3A, %add3A_716 : vector<16xi32>
    %gather3A_718 = tpu.memref_reshape %arg6 : memref<512x1x128xf32, #tpu.memory_space<vmem>> -> memref<512x128xf32, #tpu.memory_space<vmem>>
    %gather3A_719 = tpu.vector_load_idx %gather3A_718[%add3A_717, %iota3A] : memref<512x128xf32, #tpu.memory_space<vmem>>[vector<16xi32>, vector<16xi32>], vector<16xf32>,
    %swap3A_720 = arith.constant 1 : i32
    %swap3A_721 = arith.index_cast %swap3A_720 : i32 to index
    %swap3A_722 = arith.constant 32 : index
    %swap3A_723 = tpu.vector_load %arg7[%swap3A_721, %swap3A_722] {strides = array<i32>} : memref<4x128xf32, #tpu.memory_space<vmem>>, vector<16xf32>,
    tpu.vector_store %arg7[%swap3A_721, %swap3A_722], %gather3A_719 {strides = array<i32>} : memref<4x128xf32, #tpu.memory_space<vmem>>, vector<16xf32>,
    %add3A_724 = arith.constant 176 : i32
    %add3A_725 = vector.broadcast %add3A_724 : i32 to vector<16xi32>
    %add3A_726 = arith.addi %iota3A, %add3A_725 : vector<16xi32>
    %gather3A_727 = tpu.memref_reshape %arg6 : memref<512x1x128xf32, #tpu.memory_space<vmem>> -> memref<512x128xf32, #tpu.memory_space<vmem>>
    %gather3A_728 = tpu.vector_load_idx %gather3A_727[%add3A_726, %iota3A] : memref<512x128xf32, #tpu.memory_space<vmem>>[vector<16xi32>, vector<16xi32>], vector<16xf32>,
    %swap3A_729 = arith.constant 1 : i32
    %swap3A_730 = arith.index_cast %swap3A_729 : i32 to index
    %swap3A_731 = arith.constant 48 : index
    %swap3A_732 = tpu.vector_load %arg7[%swap3A_730, %swap3A_731] {strides = array<i32>} : memref<4x128xf32, #tpu.memory_space<vmem>>, vector<16xf32>,
    tpu.vector_store %arg7[%swap3A_730, %swap3A_731], %gather3A_728 {strides = array<i32>} : memref<4x128xf32, #tpu.memory_space<vmem>>, vector<16xf32>,
    %add3A_733 = arith.constant 192 : i32
    %add3A_734 = vector.broadcast %add3A_733 : i32 to vector<16xi32>
    %add3A_735 = arith.addi %iota3A, %add3A_734 : vector<16xi32>
    %gather3A_736 = tpu.memref_reshape %arg6 : memref<512x1x128xf32, #tpu.memory_space<vmem>> -> memref<512x128xf32, #tpu.memory_space<vmem>>
    %gather3A_737 = tpu.vector_load_idx %gather3A_736[%add3A_735, %iota3A] : memref<512x128xf32, #tpu.memory_space<vmem>>[vector<16xi32>, vector<16xi32>], vector<16xf32>,
    %swap3A_738 = arith.constant 1 : i32
    %swap3A_739 = arith.index_cast %swap3A_738 : i32 to index
    %swap3A_740 = arith.constant 64 : index
    %swap3A_741 = tpu.vector_load %arg7[%swap3A_739, %swap3A_740] {strides = array<i32>} : memref<4x128xf32, #tpu.memory_space<vmem>>, vector<16xf32>,
    tpu.vector_store %arg7[%swap3A_739, %swap3A_740], %gather3A_737 {strides = array<i32>} : memref<4x128xf32, #tpu.memory_space<vmem>>, vector<16xf32>,
    %add3A_742 = arith.constant 208 : i32
    %add3A_743 = vector.broadcast %add3A_742 : i32 to vector<16xi32>
    %add3A_744 = arith.addi %iota3A, %add3A_743 : vector<16xi32>
    %gather3A_745 = tpu.memref_reshape %arg6 : memref<512x1x128xf32, #tpu.memory_space<vmem>> -> memref<512x128xf32, #tpu.memory_space<vmem>>
    %gather3A_746 = tpu.vector_load_idx %gather3A_745[%add3A_744, %iota3A] : memref<512x128xf32, #tpu.memory_space<vmem>>[vector<16xi32>, vector<16xi32>], vector<16xf32>,
    %swap3A_747 = arith.constant 1 : i32
    %swap3A_748 = arith.index_cast %swap3A_747 : i32 to index
    %swap3A_749 = arith.constant 80 : index
    %swap3A_750 = tpu.vector_load %arg7[%swap3A_748, %swap3A_749] {strides = array<i32>} : memref<4x128xf32, #tpu.memory_space<vmem>>, vector<16xf32>,
    tpu.vector_store %arg7[%swap3A_748, %swap3A_749], %gather3A_746 {strides = array<i32>} : memref<4x128xf32, #tpu.memory_space<vmem>>, vector<16xf32>,
    %add3A_751 = arith.constant 224 : i32
    %add3A_752 = vector.broadcast %add3A_751 : i32 to vector<16xi32>
    %add3A_753 = arith.addi %iota3A, %add3A_752 : vector<16xi32>
    %gather3A_754 = tpu.memref_reshape %arg6 : memref<512x1x128xf32, #tpu.memory_space<vmem>> -> memref<512x128xf32, #tpu.memory_space<vmem>>
    %gather3A_755 = tpu.vector_load_idx %gather3A_754[%add3A_753, %iota3A] : memref<512x128xf32, #tpu.memory_space<vmem>>[vector<16xi32>, vector<16xi32>], vector<16xf32>,
    %swap3A_756 = arith.constant 1 : i32
    %swap3A_757 = arith.index_cast %swap3A_756 : i32 to index
    %swap3A_758 = arith.constant 96 : index
    %swap3A_759 = tpu.vector_load %arg7[%swap3A_757, %swap3A_758] {strides = array<i32>} : memref<4x128xf32, #tpu.memory_space<vmem>>, vector<16xf32>,
    tpu.vector_store %arg7[%swap3A_757, %swap3A_758], %gather3A_755 {strides = array<i32>} : memref<4x128xf32, #tpu.memory_space<vmem>>, vector<16xf32>,
    %add3A_760 = arith.constant 240 : i32
    %add3A_761 = vector.broadcast %add3A_760 : i32 to vector<16xi32>
    %add3A_762 = arith.addi %iota3A, %add3A_761 : vector<16xi32>
    %gather3A_763 = tpu.memref_reshape %arg6 : memref<512x1x128xf32, #tpu.memory_space<vmem>> -> memref<512x128xf32, #tpu.memory_space<vmem>>
    %gather3A_764 = tpu.vector_load_idx %gather3A_763[%add3A_762, %iota3A] : memref<512x128xf32, #tpu.memory_space<vmem>>[vector<16xi32>, vector<16xi32>], vector<16xf32>,
    %swap3A_765 = arith.constant 1 : i32
    %swap3A_766 = arith.index_cast %swap3A_765 : i32 to index
    %swap3A_767 = arith.constant 112 : index
    %swap3A_768 = tpu.vector_load %arg7[%swap3A_766, %swap3A_767] {strides = array<i32>} : memref<4x128xf32, #tpu.memory_space<vmem>>, vector<16xf32>,
    tpu.vector_store %arg7[%swap3A_766, %swap3A_767], %gather3A_764 {strides = array<i32>} : memref<4x128xf32, #tpu.memory_space<vmem>>, vector<16xf32>,
    %add3A_769 = arith.constant 256 : i32
    %add3A_770 = vector.broadcast %add3A_769 : i32 to vector<16xi32>
    %add3A_771 = arith.addi %iota3A, %add3A_770 : vector<16xi32>
    %gather3A_772 = tpu.memref_reshape %arg6 : memref<512x1x128xf32, #tpu.memory_space<vmem>> -> memref<512x128xf32, #tpu.memory_space<vmem>>
    %gather3A_773 = tpu.vector_load_idx %gather3A_772[%add3A_771, %iota3A] : memref<512x128xf32, #tpu.memory_space<vmem>>[vector<16xi32>, vector<16xi32>], vector<16xf32>,
    %swap3A_774 = arith.constant 2 : i32
    %swap3A_775 = arith.index_cast %swap3A_774 : i32 to index
    %swap3A_776 = arith.constant 0 : index
    %swap3A_777 = tpu.vector_load %arg7[%swap3A_775, %swap3A_776] {strides = array<i32>} : memref<4x128xf32, #tpu.memory_space<vmem>>, vector<16xf32>,
    tpu.vector_store %arg7[%swap3A_775, %swap3A_776], %gather3A_773 {strides = array<i32>} : memref<4x128xf32, #tpu.memory_space<vmem>>, vector<16xf32>,
    %add3A_778 = arith.constant 272 : i32
    %add3A_779 = vector.broadcast %add3A_778 : i32 to vector<16xi32>
    %add3A_780 = arith.addi %iota3A, %add3A_779 : vector<16xi32>
    %gather3A_781 = tpu.memref_reshape %arg6 : memref<512x1x128xf32, #tpu.memory_space<vmem>> -> memref<512x128xf32, #tpu.memory_space<vmem>>
    %gather3A_782 = tpu.vector_load_idx %gather3A_781[%add3A_780, %iota3A] : memref<512x128xf32, #tpu.memory_space<vmem>>[vector<16xi32>, vector<16xi32>], vector<16xf32>,
    %swap3A_783 = arith.constant 2 : i32
    %swap3A_784 = arith.index_cast %swap3A_783 : i32 to index
    %swap3A_785 = arith.constant 16 : index
    %swap3A_786 = tpu.vector_load %arg7[%swap3A_784, %swap3A_785] {strides = array<i32>} : memref<4x128xf32, #tpu.memory_space<vmem>>, vector<16xf32>,
    tpu.vector_store %arg7[%swap3A_784, %swap3A_785], %gather3A_782 {strides = array<i32>} : memref<4x128xf32, #tpu.memory_space<vmem>>, vector<16xf32>,
    %add3A_787 = arith.constant 288 : i32
    %add3A_788 = vector.broadcast %add3A_787 : i32 to vector<16xi32>
    %add3A_789 = arith.addi %iota3A, %add3A_788 : vector<16xi32>
    %gather3A_790 = tpu.memref_reshape %arg6 : memref<512x1x128xf32, #tpu.memory_space<vmem>> -> memref<512x128xf32, #tpu.memory_space<vmem>>
    %gather3A_791 = tpu.vector_load_idx %gather3A_790[%add3A_789, %iota3A] : memref<512x128xf32, #tpu.memory_space<vmem>>[vector<16xi32>, vector<16xi32>], vector<16xf32>,
    %swap3A_792 = arith.constant 2 : i32
    %swap3A_793 = arith.index_cast %swap3A_792 : i32 to index
    %swap3A_794 = arith.constant 32 : index
    %swap3A_795 = tpu.vector_load %arg7[%swap3A_793, %swap3A_794] {strides = array<i32>} : memref<4x128xf32, #tpu.memory_space<vmem>>, vector<16xf32>,
    tpu.vector_store %arg7[%swap3A_793, %swap3A_794], %gather3A_791 {strides = array<i32>} : memref<4x128xf32, #tpu.memory_space<vmem>>, vector<16xf32>,
    %add3A_796 = arith.constant 304 : i32
    %add3A_797 = vector.broadcast %add3A_796 : i32 to vector<16xi32>
    %add3A_798 = arith.addi %iota3A, %add3A_797 : vector<16xi32>
    %gather3A_799 = tpu.memref_reshape %arg6 : memref<512x1x128xf32, #tpu.memory_space<vmem>> -> memref<512x128xf32, #tpu.memory_space<vmem>>
    %gather3A_800 = tpu.vector_load_idx %gather3A_799[%add3A_798, %iota3A] : memref<512x128xf32, #tpu.memory_space<vmem>>[vector<16xi32>, vector<16xi32>], vector<16xf32>,
    %swap3A_801 = arith.constant 2 : i32
    %swap3A_802 = arith.index_cast %swap3A_801 : i32 to index
    %swap3A_803 = arith.constant 48 : index
    %swap3A_804 = tpu.vector_load %arg7[%swap3A_802, %swap3A_803] {strides = array<i32>} : memref<4x128xf32, #tpu.memory_space<vmem>>, vector<16xf32>,
    tpu.vector_store %arg7[%swap3A_802, %swap3A_803], %gather3A_800 {strides = array<i32>} : memref<4x128xf32, #tpu.memory_space<vmem>>, vector<16xf32>,
    %add3A_805 = arith.constant 320 : i32
    %add3A_806 = vector.broadcast %add3A_805 : i32 to vector<16xi32>
    %add3A_807 = arith.addi %iota3A, %add3A_806 : vector<16xi32>
    %gather3A_808 = tpu.memref_reshape %arg6 : memref<512x1x128xf32, #tpu.memory_space<vmem>> -> memref<512x128xf32, #tpu.memory_space<vmem>>
    %gather3A_809 = tpu.vector_load_idx %gather3A_808[%add3A_807, %iota3A] : memref<512x128xf32, #tpu.memory_space<vmem>>[vector<16xi32>, vector<16xi32>], vector<16xf32>,
    %swap3A_810 = arith.constant 2 : i32
    %swap3A_811 = arith.index_cast %swap3A_810 : i32 to index
    %swap3A_812 = arith.constant 64 : index
    %swap3A_813 = tpu.vector_load %arg7[%swap3A_811, %swap3A_812] {strides = array<i32>} : memref<4x128xf32, #tpu.memory_space<vmem>>, vector<16xf32>,
    tpu.vector_store %arg7[%swap3A_811, %swap3A_812], %gather3A_809 {strides = array<i32>} : memref<4x128xf32, #tpu.memory_space<vmem>>, vector<16xf32>,
    %add3A_814 = arith.constant 336 : i32
    %add3A_815 = vector.broadcast %add3A_814 : i32 to vector<16xi32>
    %add3A_816 = arith.addi %iota3A, %add3A_815 : vector<16xi32>
    %gather3A_817 = tpu.memref_reshape %arg6 : memref<512x1x128xf32, #tpu.memory_space<vmem>> -> memref<512x128xf32, #tpu.memory_space<vmem>>
    %gather3A_818 = tpu.vector_load_idx %gather3A_817[%add3A_816, %iota3A] : memref<512x128xf32, #tpu.memory_space<vmem>>[vector<16xi32>, vector<16xi32>], vector<16xf32>,
    %swap3A_819 = arith.constant 2 : i32
    %swap3A_820 = arith.index_cast %swap3A_819 : i32 to index
    %swap3A_821 = arith.constant 80 : index
    %swap3A_822 = tpu.vector_load %arg7[%swap3A_820, %swap3A_821] {strides = array<i32>} : memref<4x128xf32, #tpu.memory_space<vmem>>, vector<16xf32>,
    tpu.vector_store %arg7[%swap3A_820, %swap3A_821], %gather3A_818 {strides = array<i32>} : memref<4x128xf32, #tpu.memory_space<vmem>>, vector<16xf32>,
    %add3A_823 = arith.constant 352 : i32
    %add3A_824 = vector.broadcast %add3A_823 : i32 to vector<16xi32>
    %add3A_825 = arith.addi %iota3A, %add3A_824 : vector<16xi32>
    %gather3A_826 = tpu.memref_reshape %arg6 : memref<512x1x128xf32, #tpu.memory_space<vmem>> -> memref<512x128xf32, #tpu.memory_space<vmem>>
    %gather3A_827 = tpu.vector_load_idx %gather3A_826[%add3A_825, %iota3A] : memref<512x128xf32, #tpu.memory_space<vmem>>[vector<16xi32>, vector<16xi32>], vector<16xf32>,
    %swap3A_828 = arith.constant 2 : i32
    %swap3A_829 = arith.index_cast %swap3A_828 : i32 to index
    %swap3A_830 = arith.constant 96 : index
    %swap3A_831 = tpu.vector_load %arg7[%swap3A_829, %swap3A_830] {strides = array<i32>} : memref<4x128xf32, #tpu.memory_space<vmem>>, vector<16xf32>,
    tpu.vector_store %arg7[%swap3A_829, %swap3A_830], %gather3A_827 {strides = array<i32>} : memref<4x128xf32, #tpu.memory_space<vmem>>, vector<16xf32>,
    %add3A_832 = arith.constant 368 : i32
    %add3A_833 = vector.broadcast %add3A_832 : i32 to vector<16xi32>
    %add3A_834 = arith.addi %iota3A, %add3A_833 : vector<16xi32>
    %gather3A_835 = tpu.memref_reshape %arg6 : memref<512x1x128xf32, #tpu.memory_space<vmem>> -> memref<512x128xf32, #tpu.memory_space<vmem>>
    %gather3A_836 = tpu.vector_load_idx %gather3A_835[%add3A_834, %iota3A] : memref<512x128xf32, #tpu.memory_space<vmem>>[vector<16xi32>, vector<16xi32>], vector<16xf32>,
    %swap3A_837 = arith.constant 2 : i32
    %swap3A_838 = arith.index_cast %swap3A_837 : i32 to index
    %swap3A_839 = arith.constant 112 : index
    %swap3A_840 = tpu.vector_load %arg7[%swap3A_838, %swap3A_839] {strides = array<i32>} : memref<4x128xf32, #tpu.memory_space<vmem>>, vector<16xf32>,
    tpu.vector_store %arg7[%swap3A_838, %swap3A_839], %gather3A_836 {strides = array<i32>} : memref<4x128xf32, #tpu.memory_space<vmem>>, vector<16xf32>,
    %add3A_841 = arith.constant 384 : i32
    %add3A_842 = vector.broadcast %add3A_841 : i32 to vector<16xi32>
    %add3A_843 = arith.addi %iota3A, %add3A_842 : vector<16xi32>
    %gather3A_844 = tpu.memref_reshape %arg6 : memref<512x1x128xf32, #tpu.memory_space<vmem>> -> memref<512x128xf32, #tpu.memory_space<vmem>>
    %gather3A_845 = tpu.vector_load_idx %gather3A_844[%add3A_843, %iota3A] : memref<512x128xf32, #tpu.memory_space<vmem>>[vector<16xi32>, vector<16xi32>], vector<16xf32>,
    %swap3A_846 = arith.constant 3 : i32
    %swap3A_847 = arith.index_cast %swap3A_846 : i32 to index
    %swap3A_848 = arith.constant 0 : index
    %swap3A_849 = tpu.vector_load %arg7[%swap3A_847, %swap3A_848] {strides = array<i32>} : memref<4x128xf32, #tpu.memory_space<vmem>>, vector<16xf32>,
    tpu.vector_store %arg7[%swap3A_847, %swap3A_848], %gather3A_845 {strides = array<i32>} : memref<4x128xf32, #tpu.memory_space<vmem>>, vector<16xf32>,
    %add3A_850 = arith.constant 400 : i32
    %add3A_851 = vector.broadcast %add3A_850 : i32 to vector<16xi32>
    %add3A_852 = arith.addi %iota3A, %add3A_851 : vector<16xi32>
    %gather3A_853 = tpu.memref_reshape %arg6 : memref<512x1x128xf32, #tpu.memory_space<vmem>> -> memref<512x128xf32, #tpu.memory_space<vmem>>
    %gather3A_854 = tpu.vector_load_idx %gather3A_853[%add3A_852, %iota3A] : memref<512x128xf32, #tpu.memory_space<vmem>>[vector<16xi32>, vector<16xi32>], vector<16xf32>,
    %swap3A_855 = arith.constant 3 : i32
    %swap3A_856 = arith.index_cast %swap3A_855 : i32 to index
    %swap3A_857 = arith.constant 16 : index
    %swap3A_858 = tpu.vector_load %arg7[%swap3A_856, %swap3A_857] {strides = array<i32>} : memref<4x128xf32, #tpu.memory_space<vmem>>, vector<16xf32>,
    tpu.vector_store %arg7[%swap3A_856, %swap3A_857], %gather3A_854 {strides = array<i32>} : memref<4x128xf32, #tpu.memory_space<vmem>>, vector<16xf32>,
    %add3A_859 = arith.constant 416 : i32
    %add3A_860 = vector.broadcast %add3A_859 : i32 to vector<16xi32>
    %add3A_861 = arith.addi %iota3A, %add3A_860 : vector<16xi32>
    %gather3A_862 = tpu.memref_reshape %arg6 : memref<512x1x128xf32, #tpu.memory_space<vmem>> -> memref<512x128xf32, #tpu.memory_space<vmem>>
    %gather3A_863 = tpu.vector_load_idx %gather3A_862[%add3A_861, %iota3A] : memref<512x128xf32, #tpu.memory_space<vmem>>[vector<16xi32>, vector<16xi32>], vector<16xf32>,
    %swap3A_864 = arith.constant 3 : i32
    %swap3A_865 = arith.index_cast %swap3A_864 : i32 to index
    %swap3A_866 = arith.constant 32 : index
    %swap3A_867 = tpu.vector_load %arg7[%swap3A_865, %swap3A_866] {strides = array<i32>} : memref<4x128xf32, #tpu.memory_space<vmem>>, vector<16xf32>,
    tpu.vector_store %arg7[%swap3A_865, %swap3A_866], %gather3A_863 {strides = array<i32>} : memref<4x128xf32, #tpu.memory_space<vmem>>, vector<16xf32>,
    %add3A_868 = arith.constant 432 : i32
    %add3A_869 = vector.broadcast %add3A_868 : i32 to vector<16xi32>
    %add3A_870 = arith.addi %iota3A, %add3A_869 : vector<16xi32>
    %gather3A_871 = tpu.memref_reshape %arg6 : memref<512x1x128xf32, #tpu.memory_space<vmem>> -> memref<512x128xf32, #tpu.memory_space<vmem>>
    %gather3A_872 = tpu.vector_load_idx %gather3A_871[%add3A_870, %iota3A] : memref<512x128xf32, #tpu.memory_space<vmem>>[vector<16xi32>, vector<16xi32>], vector<16xf32>,
    %swap3A_873 = arith.constant 3 : i32
    %swap3A_874 = arith.index_cast %swap3A_873 : i32 to index
    %swap3A_875 = arith.constant 48 : index
    %swap3A_876 = tpu.vector_load %arg7[%swap3A_874, %swap3A_875] {strides = array<i32>} : memref<4x128xf32, #tpu.memory_space<vmem>>, vector<16xf32>,
    tpu.vector_store %arg7[%swap3A_874, %swap3A_875], %gather3A_872 {strides = array<i32>} : memref<4x128xf32, #tpu.memory_space<vmem>>, vector<16xf32>,
    %add3A_877 = arith.constant 448 : i32
    %add3A_878 = vector.broadcast %add3A_877 : i32 to vector<16xi32>
    %add3A_879 = arith.addi %iota3A, %add3A_878 : vector<16xi32>
    %gather3A_880 = tpu.memref_reshape %arg6 : memref<512x1x128xf32, #tpu.memory_space<vmem>> -> memref<512x128xf32, #tpu.memory_space<vmem>>
    %gather3A_881 = tpu.vector_load_idx %gather3A_880[%add3A_879, %iota3A] : memref<512x128xf32, #tpu.memory_space<vmem>>[vector<16xi32>, vector<16xi32>], vector<16xf32>,
    %swap3A_882 = arith.constant 3 : i32
    %swap3A_883 = arith.index_cast %swap3A_882 : i32 to index
    %swap3A_884 = arith.constant 64 : index
    %swap3A_885 = tpu.vector_load %arg7[%swap3A_883, %swap3A_884] {strides = array<i32>} : memref<4x128xf32, #tpu.memory_space<vmem>>, vector<16xf32>,
    tpu.vector_store %arg7[%swap3A_883, %swap3A_884], %gather3A_881 {strides = array<i32>} : memref<4x128xf32, #tpu.memory_space<vmem>>, vector<16xf32>,
    %add3A_886 = arith.constant 464 : i32
    %add3A_887 = vector.broadcast %add3A_886 : i32 to vector<16xi32>
    %add3A_888 = arith.addi %iota3A, %add3A_887 : vector<16xi32>
    %gather3A_889 = tpu.memref_reshape %arg6 : memref<512x1x128xf32, #tpu.memory_space<vmem>> -> memref<512x128xf32, #tpu.memory_space<vmem>>
    %gather3A_890 = tpu.vector_load_idx %gather3A_889[%add3A_888, %iota3A] : memref<512x128xf32, #tpu.memory_space<vmem>>[vector<16xi32>, vector<16xi32>], vector<16xf32>,
    %swap3A_891 = arith.constant 3 : i32
    %swap3A_892 = arith.index_cast %swap3A_891 : i32 to index
    %swap3A_893 = arith.constant 80 : index
    %swap3A_894 = tpu.vector_load %arg7[%swap3A_892, %swap3A_893] {strides = array<i32>} : memref<4x128xf32, #tpu.memory_space<vmem>>, vector<16xf32>,
    tpu.vector_store %arg7[%swap3A_892, %swap3A_893], %gather3A_890 {strides = array<i32>} : memref<4x128xf32, #tpu.memory_space<vmem>>, vector<16xf32>,
    %add3A_895 = arith.constant 480 : i32
    %add3A_896 = vector.broadcast %add3A_895 : i32 to vector<16xi32>
    %add3A_897 = arith.addi %iota3A, %add3A_896 : vector<16xi32>
    %gather3A_898 = tpu.memref_reshape %arg6 : memref<512x1x128xf32, #tpu.memory_space<vmem>> -> memref<512x128xf32, #tpu.memory_space<vmem>>
    %gather3A_899 = tpu.vector_load_idx %gather3A_898[%add3A_897, %iota3A] : memref<512x128xf32, #tpu.memory_space<vmem>>[vector<16xi32>, vector<16xi32>], vector<16xf32>,
    %swap3A_900 = arith.constant 3 : i32
    %swap3A_901 = arith.index_cast %swap3A_900 : i32 to index
    %swap3A_902 = arith.constant 96 : index
    %swap3A_903 = tpu.vector_load %arg7[%swap3A_901, %swap3A_902] {strides = array<i32>} : memref<4x128xf32, #tpu.memory_space<vmem>>, vector<16xf32>,
    tpu.vector_store %arg7[%swap3A_901, %swap3A_902], %gather3A_899 {strides = array<i32>} : memref<4x128xf32, #tpu.memory_space<vmem>>, vector<16xf32>,
    %add3A_904 = arith.constant 496 : i32
    %add3A_905 = vector.broadcast %add3A_904 : i32 to vector<16xi32>
    %add3A_906 = arith.addi %iota3A, %add3A_905 : vector<16xi32>
    %gather3A_907 = tpu.memref_reshape %arg6 : memref<512x1x128xf32, #tpu.memory_space<vmem>> -> memref<512x128xf32, #tpu.memory_space<vmem>>
    %gather3A_908 = tpu.vector_load_idx %gather3A_907[%add3A_906, %iota3A] : memref<512x128xf32, #tpu.memory_space<vmem>>[vector<16xi32>, vector<16xi32>], vector<16xf32>,
    %swap3A_909 = arith.constant 3 : i32
    %swap3A_910 = arith.index_cast %swap3A_909 : i32 to index
    %swap3A_911 = arith.constant 112 : index
    %swap3A_912 = tpu.vector_load %arg7[%swap3A_910, %swap3A_911] {strides = array<i32>} : memref<4x128xf32, #tpu.memory_space<vmem>>, vector<16xf32>,
    tpu.vector_store %arg7[%swap3A_910, %swap3A_911], %gather3A_908 {strides = array<i32>} : memref<4x128xf32, #tpu.memory_space<vmem>>, vector<16xf32>,
    "tpu.region"() ({
      %run_scoped3A = tpu.sem_alloc : memref<!tpu.dma_semaphore, #tpu.memory_space<semaphore_mem>>
      %dma_start3A_913 = arith.constant 0 : i32
      %dma_start3A_914 = arith.constant 0 : i32
      %dma_start3A_915 = tpu.memref_slice %arg4[%add3A, %dma_start3A_913, %dma_start3A_914] : memref<32x4x128xf32, #tpu.memory_space<hbm>> -> memref<1x4x128xf32, #tpu.memory_space<hbm>>
      %dma_start3A_916 = tpu.memref_squeeze %dma_start3A_915 : memref<1x4x128xf32, #tpu.memory_space<hbm>> -> memref<4x128xf32, #tpu.memory_space<hbm>>
      %dma_start3A_917 = arith.constant 0 : i32
      %dma_start3A_918 = arith.constant 0 : i32
      %dma_start3A_919 = tpu.memref_slice %arg4[%add3A, %dma_start3A_917, %dma_start3A_918] : memref<32x4x128xf32, #tpu.memory_space<hbm>> -> memref<1x4x128xf32, #tpu.memory_space<hbm>>
      %dma_start3A_920 = tpu.memref_squeeze %dma_start3A_919 : memref<1x4x128xf32, #tpu.memory_space<hbm>> -> memref<4x128xf32, #tpu.memory_space<hbm>>
      tpu.enqueue_dma source(%arg7 : memref<4x128xf32, #tpu.memory_space<vmem>>) target(%dma_start3A_920 : memref<4x128xf32, #tpu.memory_space<hbm>>) target_semaphore(%run_scoped3A : memref<!tpu.dma_semaphore, #tpu.memory_space<semaphore_mem>>)
      %dma_wait3A_921 = arith.constant 0 : i32
      %dma_wait3A_922 = arith.constant 0 : i32
      %dma_wait3A_923 = tpu.memref_slice %arg4[%add3A, %dma_wait3A_921, %dma_wait3A_922] : memref<32x4x128xf32, #tpu.memory_space<hbm>> -> memref<1x4x128xf32, #tpu.memory_space<hbm>>
      %dma_wait3A_924 = tpu.memref_squeeze %dma_wait3A_923 : memref<1x4x128xf32, #tpu.memory_space<hbm>> -> memref<4x128xf32, #tpu.memory_space<hbm>>
      %dma_wait3A_925 = arith.constant 0 : i32
      %dma_wait3A_926 = arith.constant 0 : i32
      %dma_wait3A_927 = tpu.memref_slice %arg4[%add3A, %dma_wait3A_925, %dma_wait3A_926] : memref<32x4x128xf32, #tpu.memory_space<hbm>> -> memref<1x4x128xf32, #tpu.memory_space<hbm>>
      %dma_wait3A_928 = tpu.memref_squeeze %dma_wait3A_927 : memref<1x4x128xf32, #tpu.memory_space<hbm>> -> memref<4x128xf32, #tpu.memory_space<hbm>>
      tpu.wait_dma2 semaphore(%run_scoped3A : memref<!tpu.dma_semaphore, #tpu.memory_space<semaphore_mem>>) src(%arg7 : memref<4x128xf32, #tpu.memory_space<vmem>>) dst(%dma_wait3A_928 : memref<4x128xf32, #tpu.memory_space<hbm>>)
      tpu.yield
    }) : () -> ()
    return
  }
}

</mosaic_0001>

<sc_bundles>
// kernel: _sc_gather.3.cloned.1.call-start
scs
__scs_entry_jumppad:
0x0: {  	(pc) =	sbr.rel $0x88, $3  }
0x1: {  	(tag) =	ssettag $0x0;
	lr =	simm.s32 $0x1  }
0x2: {  	[smem:$0x3F9F] =	sst lr;
	_ =	strace $0xD0000000  }
0x3: {  	_ = 	snop  }
0x4: {  	_ = 	snop  }
0x5: {  	_ = 	snop  }
0x6: {  	_ = 	snop  }
0x7: {  	_ = 	snop  }
__scs_overlays_trampoline_lowered:
0x8: {  	[smem:$0x3FAE] =	sst s0  }
0x9: {  	[smem:$0x3FAF] =	sst s1  }
0xa: {  	[smem:$0x3FB0] =	sst s2  }
0xb: {  	[smem:$0x3FB1] =	sst s3  }
0xc: {  	[smem:$0x3FB2] =	sst s4  }
0xd: {  	[smem:$0x3FB3] =	sst s5  }
0xe: {  	[smem:$0x3FB4] =	sst s6  }
0xf: {  	[smem:$0x3FB5] =	sst s7  }
0x10: {  	[smem:$0x3FB6] =	sst s8  }
0x11: {  	[smem:$0x3FB7] =	sst s9;
	s0 =	simm.s32 @!p0 $0x0  }
0x12: {  	s1 =	sld [smem:$0x3F9D];
	s0 =	simm.s32 @p0 $0x1  }
0x13: {  	[smem:$0x3FB8] =	sst s0;
	s0 =	simm.s32 @!p1 $0x0  }
0x14: {  	s2 =	sld [smem:$0x3F9C];
	s0 =	simm.s32 @p1 $0x1  }
0x15: {  	[smem:$0x3FB9] =	sst s0;
	s0 =	simm.s32 @!p2 $0x0  }
0x16: {  	s3 =	sld [smem:$0x3FDB];
	s0 =	simm.s32 @p2 $0x1  }
0x17: {  	s4 =	simm.s32 $0x1BF5;
	[smem:$0x3FBB] =	sst s0  }
0x18: {  	s0 =	sld [smem:$0x3F9E];
	_ =	swait.ge [sflag:s4], $0x0  }
0x19: {  	s7 =	sld [smem:$0x3F9F]  }
0x1a: {  	s8 =	sadd.s32 $0xFFFFE003, lr  }
0x1b: {  	s9 =	sadd.s32 $0xFFFFFEF7, lr;
	s5 =	simm.s32 $0xFFFFFFFF;
	p2 =	slt.u32 s8, $0xFFFFF086  }
0x1c: {  	p1 =	slt.u32 s9, $0xF7A;
	s5 =	simm.s32 @!p2 $0x0  }
0x1d: {  	s5 =	simm.s32 @p1 $0x1;
	p0 =	seq.s32 s7, s2  }
0x1e: {  	s7 =	smul.u32 @!p0 $0xF7A, s2;
	p2 =	seq.s32 @!p0 s5, $0x0  }
0x1f: {  	s9 =	smul.u32 $0xF7A, s1;
	s8 =	simm.s32 @!p0 $0x1BF5;
	p2 =	por !p2, p0  }
0x20: {  	[sflag:s8] =	ssyncset.s32 @!p0 $0xFFFFF086;
	s6 =	sadd.s32 @!p0 s3, s7;
	s7 =	simm.s32 @!p0 $0x108  }
0x21: {  	s3 =	sadd.s32 s3, s9;
	s6 =	sadd.s32 @!p0 $0x88, s6;
	s7 =	simm.s32 @p2 $0x1082  }
0x22: {  	[simem:s7], [sflag:s8] =	dma.local @!p0 [hbm:s6], $0xF7A  }
0x23: {  	s9 =	sor.u32 $0xD0000000, s2;
	s6 =	simm.s32 $0x108;
	_ =	swait.ge @!p0 [sflag:s8], $0x0  }
0x24: {  	s3 =	sadd.s32 $0x88, s3;
	s6 =	simm.s32 @!p1 $0x1082;
	[sflag:s4] =	ssyncset.s32 $0xFFFFF086  }
0x25: {  	[simem:s6], [sflag:s4] =	dma.local [hbm:s3], $0xF7A  }
0x26: {  	[smem:$0x3F9F] =	sst s1;
	(tag) =	ssettag s2;
	_ =	strace s9  }
0x27: {  	s1 =	sld [smem:$0x3FAF]  }
0x28: {  	s2 =	sld [smem:$0x3FB0]  }
0x29: {  	s4 =	sld [smem:$0x3FB2]  }
0x2a: {  	p0 =	seq.s32 s5, $0x0;
	s5 =	sld [smem:$0x3FB3]  }
0x2b: {  	s6 =	sld [smem:$0x3FB4]  }
0x2c: {  	s7 =	sld [smem:$0x3FB5]  }
0x2d: {  	s3 =	simm.s32 $0x108;
	s8 =	sld [smem:$0x3FB6]  }
0x2e: {  	s3 =	simm.s32 @!p0 $0x1082;
	s9 =	sld [smem:$0x3FB7]  }
0x2f: {  	lr =	sadd.s32 s0, s3;
	s0 =	sld [smem:$0x3FAE]  }
0x30: {  	s3 =	sld [smem:$0x3FB1]  }
0x31: {  	[smem:$0x3FBA] =	sst s10  }
0x32: {  	s10 =	sld [smem:$0x3FB8];
	_ =	sdelay $0x3  }
0x33: {  	p0 =	seq.s32 s10, $0x1;
	s10 =	sld [smem:$0x3FBA];
	_ =	sdelay $0x3  }
0x34: {  	[smem:$0x3FBA] =	sst s10  }
0x35: {  	s10 =	sld [smem:$0x3FB9];
	_ =	sdelay $0x3  }
0x36: {  	p1 =	seq.s32 s10, $0x1;
	s10 =	sld [smem:$0x3FBA];
	_ =	sdelay $0x3  }
0x37: {  	[smem:$0x3FBA] =	sst s10  }
0x38: {  	s10 =	sld [smem:$0x3FBB]  }
0x39: {  	_ = 	snop;
	(pc) =	sbr.ind lr, $3  }
0x3a: {  	_ = 	snop  }
0x3b: {  	_ = 	snop  }
0x3c: {  	p2 =	seq.s32 s10, $0x1;
	s10 =	sld [smem:$0x3FBA]  }
0x3d: {  	_ =	shalt  }
0x3e: {  	_ =	shalt  }
0x3f: {  	_ =	shalt  }
0x40: {  	_ =	shalt  }
0x41: {  	_ =	shalt  }
0x42: {  	_ =	shalt  }
0x43: {  	_ =	shalt  }
0x44: {  	_ =	shalt  }
0x45: {  	_ =	shalt  }
0x46: {  	_ =	shalt  }
0x47: {  	_ =	shalt  }
0x48: {  	_ =	shalt  }
0x49: {  	_ =	shalt  }
0x4a: {  	_ =	shalt  }
0x4b: {  	_ =	shalt  }
0x4c: {  	_ =	shalt  }
0x4d: {  	_ =	shalt  }
0x4e: {  	_ =	shalt  }
0x4f: {  	_ =	shalt  }
0x50: {  	_ =	shalt  }
0x51: {  	_ =	shalt  }
0x52: {  	_ =	shalt  }
0x53: {  	_ =	shalt  }
0x54: {  	_ =	shalt  }
0x55: {  	_ =	shalt  }
0x56: {  	_ =	shalt  }
0x57: {  	_ =	shalt  }
0x58: {  	_ =	shalt  }
0x59: {  	_ =	shalt  }
0x5a: {  	_ =	shalt  }
0x5b: {  	_ =	shalt  }
0x5c: {  	_ =	shalt  }
0x5d: {  	_ =	shalt  }
0x5e: {  	_ =	shalt  }
0x5f: {  	_ =	shalt  }
0x60: {  	_ =	shalt  }
0x61: {  	_ =	shalt  }
0x62: {  	_ =	shalt  }
0x63: {  	_ =	shalt  }
0x64: {  	_ =	shalt  }
0x65: {  	_ =	shalt  }
0x66: {  	_ =	shalt  }
0x67: {  	_ =	shalt  }
0x68: {  	_ =	shalt  }
0x69: {  	_ =	shalt  }
0x6a: {  	_ =	shalt  }
0x6b: {  	_ =	shalt  }
0x6c: {  	_ =	shalt  }
0x6d: {  	_ =	shalt  }
0x6e: {  	_ =	shalt  }
0x6f: {  	_ =	shalt  }
0x70: {  	_ =	shalt  }
0x71: {  	_ =	shalt  }
0x72: {  	_ =	shalt  }
0x73: {  	_ =	shalt  }
0x74: {  	_ =	shalt  }
0x75: {  	_ =	shalt  }
0x76: {  	_ =	shalt  }
0x77: {  	_ =	shalt  }
0x78: {  	_ =	shalt  }
0x79: {  	_ =	shalt  }
0x7a: {  	_ =	shalt  }
0x7b: {  	_ =	shalt  }
0x7c: {  	_ =	shalt  }
0x7d: {  	_ =	shalt  }
0x7e: {  	_ =	shalt  }
0x7f: {  	_ =	shalt  }
0x80: {  	_ =	shalt  }
0x81: {  	_ =	shalt  }
0x82: {  	_ =	shalt  }
0x83: {  	_ =	shalt  }
0x84: {  	_ =	shalt  }
0x85: {  	_ =	shalt  }
0x86: {  	_ =	shalt  }
0x87: {  	_ =	shalt  }
.Lfunc_end0:
.L_simem_size_0:
called_computation_lowered:
.L_overlay_start_0:
0x88: {  	s2 =	sld [smem:$0x3FD9]  }
0x89: {  	s3 =	sld [smem:$0x3FFE];
	_ =	sdelay $0x1  }
0x8a: {  	s1 =	srdreg.scid  }
0x8b: {  	s0 =	sand.u32 $0x1, s1  }
0x8c: {  	s17 =	sshll.u32 s0, $0xA;
	s2 =	sadd.s32 s3, s2  }
0x8d: {  	s2 =	sadd.s32 s2, s17  }
0x8e: {  	[smem:$0x3FC6] =	sst s2  }
0x8f: {  	_ = 	snop  }
0x90: {  	s2 =	sld [smem:$0x3FD0];
	(tm) =	ssettm $0x1  }
0x91: {  	s18 =	sld [smem:$0x3FFB];
	_ =	sdelay $0x3  }
0x92: {  	_ =	strace s18  }
0x93: {  	s3 =	sld [smem:$0x3FFC];
	_ =	sdelay $0x3  }
0x94: {  	_ =	strace s3  }
0x95: {  	s3 =	sld [smem:$0x3FFD];
	_ =	sdelay $0x3  }
0x96: {  	_ =	strace s3  }
0x97: {  	_ =	strace $0x8FFFFFFF  }
0x98: {  	s19 =	sld [smem:$0x3FDB];
	_ =	sdelay $0x1  }
0x99: {  	s4 =	simm.s32 $_scs_section_size  }
0x9a: {  	s5 =	simm.s32 $_size__tile_overlayer_lowered;
	s6 =	simm.s32 $_tile_overlayer_lowered  }
0x9b: {  	s22 =	simm.s32 $0x1BFF;
	s21 =	sshll.u32 s6, $0x1;
	s3 =	sadd.s32 s4, s19  }
0x9c: {  	s7 =	simm.s32 $0x0;
	s20 =	sshll.u32 s5, $0x1;
	s5 =	sadd.s32 s21, s3  }
0x9d: {  	[timem:s7], [sflag:s22] =	dma.local [hbm:s5], s20  }
0x9e: {  	_ =	swait.ge [sflag:s22], s20  }
0x9f: {  	s4 =	ssub.s32 $0x0, s20;
	[sflag:s22] =	ssyncset.done $0x0  }
0xa0: {  	[sflag:s22] =	ssyncadd.s32 s4;
	_ =	sdelay $0x1  }
0xa1: {  	s23 =	simm.s32 $0x1B8B  }
0xa2: {  	_ =	swait.ge [sflag:s23], $0x1  }
0xa3: {  	[sflag:s23] =	ssyncset.done $0x0  }
0xa4: {  	s25 =	simm.s32 $0x1B8E;
	s24 =	sld [smem:$0x3FFE];
	[sflag:s23] =	ssyncadd.s32 $0xFFFFFFFF  }
0xa5: {  	s26 =	simm.s32 $execute0_lowered;
	[smem:$0x3FD2] =	sst s25  }
0xa6: {  	s5 =	sshll.u32 s26, $0x1;
	_ =	strace $0x80000046;
	[dreg:$0x1] =	wrdreg $0xFFFFFFFF  }
0xa7: {  	s28 =	simm.s32 $_size_execute0_lowered;
	s3 =	sadd.s32 s3, s5;
	[dreg:$0x0] =	wrdreg $0x0  }
0xa8: {  	s5 =	sshll.u32 s28, $0x1;
	[dreg:$0x2] =	wrdreg s3  }
0xa9: {  	[dreg:$0x3] =	wrdreg s5  }
0xaa: {  	[dreg:$0x4] =	wrdreg $0xC0  }
0xab: {  	_ =	task [dreg:s7], $0x5FFFF  }
0xac: {  	[dreg:$0x1] =	wrdreg $0xFFFFFFFF  }
0xad: {  	[dreg:$0x0] =	wrdreg $0x60  }
0xae: {  	[dreg:$0x2] =	wrdreg s24  }
0xaf: {  	[dreg:$0x3] =	wrdreg s2  }
0xb0: {  	[dreg:$0x4] =	wrdreg $0x9  }
0xb1: {  	_ =	task.clear_ibuf [dreg:s7], $0x5FFFF;
	_ =	strace $0x90000046  }
0xb2: {  	s29 =	simm.s32 $0x9;
	_ =	strace $0x80000048  }
0xb3: {  	_ =	swait.ge [sflag:s29], $0x1  }
0xb4: {  	[sflag:s29] =	ssyncadd.s32 $0xFFFFFFFF  }
0xb5: {  	_ =	strace $0x90000048  }
0xb6: {  	_ =	sfence  }
0xb7: {  	s30 =	sld [smem:$0x0];
	_ =	sdelay $0x2  }
0xb8: {  	s31 =	sshll.u32 s1, $0xD;
	s1 =	sshrl.u32 s1, $0x2  }
0xb9: {  	s3 =	sand.u32 $0x4000, s31;
	s1 =	sadd.s32 s1, s30  }
0xba: {  	s0 =	sor.u32 s3, s0;
	s1 =	sshll.u32 s1, $0x11  }
0xbb: {  	s0 =	sor.u32 s1, s0  }
0xbc: {  	s0 =	sadd.s32 $0x8F2B, s0  }
0xbd: {  	[sflag:s0] =	ssyncadd.remote.s32 $0x1  }
0xbe: {  	_ =	sfence.sel $0xFFFF  }
0xbf: {  	[dreg:$0x0] =	wrdreg $0xFFFFFFFF;
	(pc) =	sbr.abs _section_cstart, $3  }
0xc0: {  	[dreg:$0x1] =	wrdreg $0xFFFFFFFF  }
0xc1: {  	_ =	task.clear_ibuf [dreg:s7], $0x2FFFF;
	_ =	strace $0x9FFFFFFF  }
0xc2: {  	(tm) =	ssettm $0x7FFFFFFF  }
0xc3: {  	_ =	shalt  }
tec
execute0_lowered:
.L_overlay_start_1:
0x0: {  	(tag) =	ssettag $0x1  }
0x1: {  	v0 =	vlaneseq.u32  }
0x2: {  	v31 =	vmul.u32 $0x3E5, v0  }
0x3: {  	vm0 =	vmmov $0xffff  }
0x4: {  	v1 =	vadd.s32 $0x10, v31;
	v4 =	vadd.s32 $0x20, v31;
	v5 =	vadd.s32 $0x40, v31  }
0x5: {  	v6 =	vadd.s32 $0x50, v31;
	v7 =	vadd.s32 $0x60, v31;
	v8 =	vadd.s32 $0x70, v31  }
0x6: {  	v9 =	vadd.s32 $0x80, v31;
	v10 =	vadd.s32 $0x90, v31;
	v11 =	vadd.s32 $0xA0, v31  }
0x7: {  	v12 =	vadd.s32 $0xB0, v31;
	v13 =	vadd.s32 $0xC0, v31;
	v14 =	vadd.s32 $0xD0, v31  }
0x8: {  	s1 =	srdreg.scid;
	s0 =	stileid.u32;
	v15 =	vadd.s32 $0xE0, v31;
	v16 =	vadd.s32 $0xF0, v31;
	v17 =	vadd.s32 $0x100, v31  }
0x9: {  	s3 =	sand.u32 $0x1, s1;
	s17 =	sshll.u32 s0, $0x1;
	v18 =	vadd.s32 $0x110, v31;
	v19 =	vadd.s32 $0x120, v31;
	v20 =	vadd.s32 $0x130, v31  }
0xa: {  	s4 =	sor.u32 s3, s17;
	v21 =	vadd.s32 $0x140, v31;
	v22 =	vadd.s32 $0x150, v31;
	v23 =	vadd.s32 $0x160, v31  }
0xb: {  	s1 =	smul.u32 $0x25, s4;
	v24 =	vadd.s32 $0x170, v31;
	v25 =	vadd.s32 $0x180, v31;
	v26 =	vadd.s32 $0x190, v31  }
0xc: {  	v27 =	vadd.s32 $0x1A0, v31;
	v28 =	vadd.s32 $0x1B0, v31;
	v29 =	vadd.s32 $0x1C0, v31  }
0xd: {  	v30 =	vadd.s32 $0x1D0, v31;
	v32 =	vadd.s32 $0x1E0, v31;
	v2 =	vadd.s32 s1, v31  }
0xe: {  	v3 =	vadd.s32 s1, v1;
	v5 =	vadd.s32 s1, v5;
	v6 =	vadd.s32 s1, v6  }
0xf: {  	v7 =	vadd.s32 s1, v7;
	v8 =	vadd.s32 s1, v8;
	v9 =	vadd.s32 s1, v9  }
0x10: {  	v10 =	vadd.s32 s1, v10;
	v11 =	vadd.s32 s1, v11;
	v12 =	vadd.s32 s1, v12  }
0x11: {  	v13 =	vadd.s32 s1, v13;
	v14 =	vadd.s32 s1, v14;
	v15 =	vadd.s32 s1, v15  }
0x12: {  	v16 =	vadd.s32 s1, v16;
	v17 =	vadd.s32 s1, v17;
	v18 =	vadd.s32 s1, v18  }
0x13: {  	v19 =	vadd.s32 s1, v19;
	v20 =	vadd.s32 s1, v20;
	v21 =	vadd.s32 s1, v21  }
0x14: {  	v22 =	vadd.s32 s1, v22;
	v23 =	vadd.s32 s1, v23;
	v24 =	vadd.s32 s1, v24  }
0x15: {  	v25 =	vadd.s32 s1, v25;
	v26 =	vadd.s32 s1, v26;
	v27 =	vadd.s32 s1, v27  }
0x16: {  	v28 =	vadd.s32 s1, v28;
	v29 =	vadd.s32 s1, v29;
	v30 =	vadd.s32 s1, v30  }
0x17: {  	v32 =	vadd.s32 s1, v32;
	v1 =	vand.u32 $0x7FF, v2;
	v2 =	vand.u32 $0x7FF, v3  }
0x18: {  	v3 =	vadd.s32 s1, v4;
	v4 =	vadd.s32 $0x30, v31;
	v5 =	vand.u32 $0x7FF, v5  }
0x19: {  	v6 =	vand.u32 $0x7FF, v6;
	v7 =	vand.u32 $0x7FF, v7;
	v8 =	vand.u32 $0x7FF, v8  }
0x1a: {  	s5 =	rddreg [dreg:$0x0];
	v9 =	vand.u32 $0x7FF, v9;
	v10 =	vand.u32 $0x7FF, v10;
	v11 =	vand.u32 $0x7FF, v11  }
0x1b: {  	s6 =	rddreg [dreg:$0x1];
	s2 =	simm.s32 $0x0;
	s18 =	simm.s32 $0xA00;
	v12 =	vand.u32 $0x7FF, v12;
	v13 =	vand.u32 $0x7FF, v13;
	v14 =	vand.u32 $0x7FF, v14  }
0x1c: {  	s19 =	simm.s32 $0x1200;
	s20 =	simm.s32 $0x1A00;
	s22 =	simm.s32 $0x2200;
	v15 =	vand.u32 $0x7FF, v15;
	v16 =	vand.u32 $0x7FF, v16;
	v17 =	vand.u32 $0x7FF, v17  }
0x1d: {  	s23 =	simm.s32 $0x2A00;
	s24 =	simm.s32 $0x3200;
	s25 =	simm.s32 $0x3A00;
	v18 =	vand.u32 $0x7FF, v18;
	v19 =	vand.u32 $0x7FF, v19;
	v20 =	vand.u32 $0x7FF, v20  }
0x1e: {  	s26 =	simm.s32 $0x4200;
	s8 =	simm.s32 $0x5A00;
	s9 =	simm.s32 $0x6200;
	v21 =	vand.u32 $0x7FF, v21;
	v22 =	vand.u32 $0x7FF, v22;
	v23 =	vand.u32 $0x7FF, v23  }
0x1f: {  	s10 =	simm.s32 $0x6A00;
	s11 =	simm.s32 $0x7200;
	s12 =	simm.s32 $0x7A00;
	v24 =	vand.u32 $0x7FF, v24;
	v25 =	vand.u32 $0x7FF, v25;
	v26 =	vand.u32 $0x7FF, v26  }
0x20: {  	s13 =	simm.s32 $0x8200;
	s14 =	simm.s32 $0x8A00;
	s7 =	sshll.u32 s4, $0x6;
	v27 =	vand.u32 $0x7FF, v27;
	v28 =	vand.u32 $0x7FF, v28;
	v29 =	vand.u32 $0x7FF, v29  }
0x21: {  	s15 =	simm.s32 $0x9200;
	[smem:$0x7FF] =	sst s2;
	s6 =	sadd.s32 s6, s7;
	v30 =	vand.u32 $0x7FF, v30;
	v31 =	vadd.s32 $0x1F0, v31;
	v32 =	vand.u32 $0x7FF, v32;
	[tilespmem:$0x1FFF0] =	vst v2  }
0x22: {  	s16 =	simm.s32 $0x9A00;
	v4 =	vadd.s32 s1, v4;
	v33 =	vadd.s32 s1, v31;
	v31 =	vmul.u32 $0x81, v0;
	_ =	strace $0x80000047;
	[dreg:$0x3] =	wrdreg s6  }
0x23: {  	s28 =	simm.s32 $0xF200;
	s29 =	simm.s32 $0xFA00;
	v3 =	vand.u32 $0x7FF, v3;
	v34 =	vshll.u32 v1, $0xD;
	v4 =	vand.u32 $0x7FF, v4;
	[dreg:$0x4] =	wrdreg s18  }
0x24: {  	s30 =	simm.s32 $0x1;
	s31 =	simm.s32 $0x10200;
	[dreg:$0x5] =	wrdreg s19;
	v33 =	vand.u32 $0x7FF, v33;
	v34 =	vperm.xlane v34, v0;
	v35 =	vor.u32 $0x800, v31  }
0x25: {  	s3 =	ssub.s32 $0x2, s3;
	s17 =	simm.s32 $0xA200;
	[dreg:$0x6] =	wrdreg s20;
	v36 =	vor.u32 $0x1000, v31;
	v37 =	vor.u32 $0x1800, v31;
	v38 =	vor.u32 $0x2000, v31  }
0x26: {  	s4 =	sshll.u32 s4, $0x4;
	s21 =	sshrl.u32 s3, $0x1;
	[dreg:$0x7] =	wrdreg s22;
	v39 =	vor.u32 $0x2800, v31;
	v40 =	vor.u32 $0x3000, v31;
	v41 =	vor.u32 $0x3800, v31  }
0x27: {  	s4 =	sadd.s32 s4, s5;
	s5 =	simm.s32 $0x200;
	[dreg:$0x8] =	wrdreg s23;
	v42 =	vor.u32 $0x4000, v31;
	v43 =	vor.u32 $0x4800, v31;
	v44 =	vor.u32 $0x5000, v31  }
0x28: {  	s7 =	simm.s32 $0x5200;
	s1 =	simm.s32 $0x2;
	[dreg:$0x9] =	wrdreg s24;
	v45 =	vor.u32 $0x5800, v31;
	v46 =	vor.u32 $0x6000, v31;
	v47 =	vor.u32 $0x6800, v31  }
0x29: {  	s6 =	ssub.s32 s3, s21;
	s3 =	sadd.s32 $0x400, s4;
	[dreg:$0xa] =	wrdreg s25;
	v48 =	vor.u32 $0x7000, v31;
	v49 =	vor.u32 $0x7800, v31;
	v50 =	vor.u32 $0x8000, v31  }
0x2a: {  	[dreg:$0xb] =	wrdreg s26;
	s18 =	simm.s32 $0xAA00;
	s19 =	simm.s32 $0xB200;
	v51 =	vor.u32 $0x8800, v31;
	v52 =	vor.u32 $0x9000, v31;
	v53 =	vor.u32 $0x9800, v31  }
0x2b: {  	s20 =	simm.s32 $0xBA00;
	s21 =	simm.s32 $0xC200;
	s22 =	simm.s32 $0xCA00;
	v54 =	vor.u32 $0xA000, v31;
	v55 =	vor.u32 $0xA800, v31;
	v56 =	vor.u32 $0xB000, v31  }
0x2c: {  	s23 =	simm.s32 $0xD200;
	s24 =	simm.s32 $0xDA00;
	s25 =	simm.s32 $0xE200;
	v57 =	vor.u32 $0xB800, v31;
	v58 =	vor.u32 $0xC000, v31;
	v59 =	vor.u32 $0xC800, v31  }
0x2d: {  	s26 =	simm.s32 $0xEA00;
	s4 =	smax.u32 s6, $0x1;
	s6 =	simm.s32 $0x4A00;
	v60 =	vor.u32 $0xD000, v31;
	v61 =	vor.u32 $0xD800, v31;
	v62 =	vor.u32 $0xE000, v31  }
.LBB2_1:
0x2e: {  	[tilespmem:$0x0] =	vst v1  }
0x2f: {  	[tilespmem:$0x20] =	vst v3  }
0x30: {  	[tilespmem:$0x30] =	vst v4  }
0x31: {  	[tilespmem:$0x40] =	vst v5  }
0x32: {  	[tilespmem:$0x50] =	vst v6  }
0x33: {  	[tilespmem:$0x60] =	vst v7  }
0x34: {  	[tilespmem:$0x70] =	vst v8  }
0x35: {  	[tilespmem:$0x80] =	vst v9  }
0x36: {  	[tilespmem:$0x90] =	vst v10  }
0x37: {  	[tilespmem:$0xA0] =	vst v11  }
0x38: {  	[tilespmem:$0xB0] =	vst v12  }
0x39: {  	[tilespmem:$0xC0] =	vst v13  }
0x3a: {  	[tilespmem:$0xD0] =	vst v14  }
0x3b: {  	[tilespmem:$0xE0] =	vst v15  }
0x3c: {  	[tilespmem:$0xF0] =	vst v16  }
0x3d: {  	[tilespmem:$0x100] =	vst v17  }
0x3e: {  	[tilespmem:$0x110] =	vst v18  }
0x3f: {  	[tilespmem:$0x120] =	vst v19  }
0x40: {  	[tilespmem:$0x130] =	vst v20  }
0x41: {  	[tilespmem:$0x140] =	vst v21  }
0x42: {  	[tilespmem:$0x150] =	vst v22  }
0x43: {  	[tilespmem:$0x160] =	vst v23  }
0x44: {  	[tilespmem:$0x170] =	vst v24  }
0x45: {  	[tilespmem:$0x180] =	vst v25  }
0x46: {  	[tilespmem:$0x190] =	vst v26  }
0x47: {  	[tilespmem:$0x1A0] =	vst v27  }
0x48: {  	v2 =	vld [tilespmem:$0x1FFF0];
	[tilespmem:$0x1B0] =	vst v28  }
0x49: {  	[tilespmem:$0x1C0] =	vst v29  }
0x4a: {  	[tilespmem:$0x1D0] =	vst v30  }
0x4b: {  	[tilespmem:$0x1E0] =	vst v32  }
0x4c: {  	[tilespmem:$0x1F0] =	vst v33  }
0x4d: {  	[tilespmem:$0x10] =	vst v2  }
0x4e: {  	[tilespmem:s5], [sflag:$0x1] =	stream.indirect_vreg.gather [hbm4b:s3+s2], $0x80, v34, vm0, $0x38;
	[tilespmem:$0x10400] =	vst v63  }
0x4f: {  	v63 =	vld [tilespmem:$0x10];
	_ =	sdelay $0x4  }
0x50: {  	v63 =	vshll.u32 v63, $0xD  }
0x51: {  	v63 =	vperm.xlane v63, v0;
	_ =	sdelay $0x4  }
0x52: {  	s0 =	rddreg [dreg:$0x4]  }
0x53: {  	[tilespmem:s0], [sflag:$0x1] =	stream.indirect_vreg.gather [hbm4b:s3+s2], $0x80, v63, vm0, $0x38;
	[tilespmem:$0x10400] =	vst v63  }
0x54: {  	v63 =	vld [tilespmem:$0x20];
	_ =	sdelay $0x4  }
0x55: {  	v63 =	vshll.u32 v63, $0xD  }
0x56: {  	v63 =	vperm.xlane v63, v0;
	_ =	sdelay $0x4  }
0x57: {  	s0 =	rddreg [dreg:$0x5]  }
0x58: {  	[tilespmem:s0], [sflag:$0x1] =	stream.indirect_vreg.gather [hbm4b:s3+s2], $0x80, v63, vm0, $0x38;
	[tilespmem:$0x10400] =	vst v63  }
0x59: {  	v63 =	vld [tilespmem:$0x30];
	_ =	sdelay $0x4  }
0x5a: {  	v63 =	vshll.u32 v63, $0xD  }
0x5b: {  	v63 =	vperm.xlane v63, v0;
	_ =	sdelay $0x4  }
0x5c: {  	s0 =	rddreg [dreg:$0x6]  }
0x5d: {  	[tilespmem:s0], [sflag:$0x1] =	stream.indirect_vreg.gather [hbm4b:s3+s2], $0x80, v63, vm0, $0x38;
	[tilespmem:$0x10400] =	vst v63  }
0x5e: {  	v63 =	vld [tilespmem:$0x40];
	_ =	sdelay $0x4  }
0x5f: {  	v63 =	vshll.u32 v63, $0xD  }
0x60: {  	v63 =	vperm.xlane v63, v0;
	_ =	sdelay $0x4  }
0x61: {  	s0 =	rddreg [dreg:$0x7]  }
0x62: {  	[tilespmem:s0], [sflag:$0x1] =	stream.indirect_vreg.gather [hbm4b:s3+s2], $0x80, v63, vm0, $0x38;
	[tilespmem:$0x10400] =	vst v63  }
0x63: {  	v63 =	vld [tilespmem:$0x50];
	_ =	sdelay $0x4  }
0x64: {  	v63 =	vshll.u32 v63, $0xD  }
0x65: {  	v63 =	vperm.xlane v63, v0;
	_ =	sdelay $0x4  }
0x66: {  	s0 =	rddreg [dreg:$0x8]  }
0x67: {  	[tilespmem:s0], [sflag:$0x1] =	stream.indirect_vreg.gather [hbm4b:s3+s2], $0x80, v63, vm0, $0x38;
	[tilespmem:$0x10400] =	vst v63  }
0x68: {  	v63 =	vld [tilespmem:$0x60];
	_ =	sdelay $0x4  }
0x69: {  	v63 =	vshll.u32 v63, $0xD  }
0x6a: {  	v63 =	vperm.xlane v63, v0;
	_ =	sdelay $0x4  }
0x6b: {  	s0 =	rddreg [dreg:$0x9]  }
0x6c: {  	[tilespmem:s0], [sflag:$0x1] =	stream.indirect_vreg.gather [hbm4b:s3+s2], $0x80, v63, vm0, $0x38;
	[tilespmem:$0x10400] =	vst v63  }
0x6d: {  	v63 =	vld [tilespmem:$0x70];
	_ =	sdelay $0x4  }
0x6e: {  	v63 =	vshll.u32 v63, $0xD  }
0x6f: {  	v63 =	vperm.xlane v63, v0;
	_ =	sdelay $0x4  }
0x70: {  	s0 =	rddreg [dreg:$0xa]  }
0x71: {  	[tilespmem:s0], [sflag:$0x1] =	stream.indirect_vreg.gather [hbm4b:s3+s2], $0x80, v63, vm0, $0x38;
	[tilespmem:$0x10400] =	vst v63  }
0x72: {  	v63 =	vld [tilespmem:$0x80];
	_ =	sdelay $0x4  }
0x73: {  	v63 =	vshll.u32 v63, $0xD  }
0x74: {  	v63 =	vperm.xlane v63, v0;
	_ =	sdelay $0x4  }
0x75: {  	s0 =	rddreg [dreg:$0xb]  }
0x76: {  	[tilespmem:s0], [sflag:$0x1] =	stream.indirect_vreg.gather [hbm4b:s3+s2], $0x80, v63, vm0, $0x38;
	[tilespmem:$0x10400] =	vst v63  }
0x77: {  	v63 =	vld [tilespmem:$0x90];
	_ =	sdelay $0x4  }
0x78: {  	v63 =	vshll.u32 v63, $0xD  }
0x79: {  	v63 =	vperm.xlane v63, v0;
	_ =	sdelay $0x5  }
0x7a: {  	[tilespmem:s6], [sflag:$0x1] =	stream.indirect_vreg.gather [hbm4b:s3+s2], $0x80, v63, vm0, $0x38;
	[tilespmem:$0x10400] =	vst v63  }
0x7b: {  	v63 =	vld [tilespmem:$0xA0];
	_ =	sdelay $0x4  }
0x7c: {  	v63 =	vshll.u32 v63, $0xD  }
0x7d: {  	v63 =	vperm.xlane v63, v0;
	_ =	sdelay $0x5  }
0x7e: {  	[tilespmem:s7], [sflag:$0x1] =	stream.indirect_vreg.gather [hbm4b:s3+s2], $0x80, v63, vm0, $0x38;
	[tilespmem:$0x10400] =	vst v63  }
0x7f: {  	v63 =	vld [tilespmem:$0xB0];
	_ =	sdelay $0x4  }
0x80: {  	v63 =	vshll.u32 v63, $0xD  }
0x81: {  	v63 =	vperm.xlane v63, v0;
	_ =	sdelay $0x5  }
0x82: {  	[tilespmem:s8], [sflag:$0x1] =	stream.indirect_vreg.gather [hbm4b:s3+s2], $0x80, v63, vm0, $0x38;
	[tilespmem:$0x10400] =	vst v63  }
0x83: {  	v63 =	vld [tilespmem:$0xC0];
	_ =	sdelay $0x4  }
0x84: {  	v63 =	vshll.u32 v63, $0xD  }
0x85: {  	v63 =	vperm.xlane v63, v0;
	_ =	sdelay $0x5  }
0x86: {  	[tilespmem:s9], [sflag:$0x1] =	stream.indirect_vreg.gather [hbm4b:s3+s2], $0x80, v63, vm0, $0x38;
	[tilespmem:$0x10400] =	vst v63  }
0x87: {  	v63 =	vld [tilespmem:$0xD0];
	_ =	sdelay $0x4  }
0x88: {  	v63 =	vshll.u32 v63, $0xD  }
0x89: {  	v63 =	vperm.xlane v63, v0;
	_ =	sdelay $0x5  }
0x8a: {  	[tilespmem:s10], [sflag:$0x1] =	stream.indirect_vreg.gather [hbm4b:s3+s2], $0x80, v63, vm0, $0x38;
	[tilespmem:$0x10400] =	vst v63  }
0x8b: {  	v63 =	vld [tilespmem:$0xE0];
	_ =	sdelay $0x4  }
0x8c: {  	v63 =	vshll.u32 v63, $0xD  }
0x8d: {  	v63 =	vperm.xlane v63, v0;
	_ =	sdelay $0x5  }
0x8e: {  	[tilespmem:s11], [sflag:$0x1] =	stream.indirect_vreg.gather [hbm4b:s3+s2], $0x80, v63, vm0, $0x38;
	[tilespmem:$0x10400] =	vst v63  }
0x8f: {  	v63 =	vld [tilespmem:$0xF0];
	_ =	sdelay $0x4  }
0x90: {  	v63 =	vshll.u32 v63, $0xD  }
0x91: {  	v63 =	vperm.xlane v63, v0;
	_ =	sdelay $0x5  }
0x92: {  	[tilespmem:s12], [sflag:$0x1] =	stream.indirect_vreg.gather [hbm4b:s3+s2], $0x80, v63, vm0, $0x38;
	[tilespmem:$0x10400] =	vst v63  }
0x93: {  	v63 =	vld [tilespmem:$0x100];
	_ =	sdelay $0x4  }
0x94: {  	v63 =	vshll.u32 v63, $0xD  }
0x95: {  	v63 =	vperm.xlane v63, v0;
	_ =	sdelay $0x5  }
0x96: {  	[tilespmem:s13], [sflag:$0x1] =	stream.indirect_vreg.gather [hbm4b:s3+s2], $0x80, v63, vm0, $0x38;
	[tilespmem:$0x10400] =	vst v63  }
0x97: {  	v63 =	vld [tilespmem:$0x110];
	_ =	sdelay $0x4  }
0x98: {  	v63 =	vshll.u32 v63, $0xD  }
0x99: {  	v63 =	vperm.xlane v63, v0;
	_ =	sdelay $0x5  }
0x9a: {  	[tilespmem:s14], [sflag:$0x1] =	stream.indirect_vreg.gather [hbm4b:s3+s2], $0x80, v63, vm0, $0x38;
	[tilespmem:$0x10400] =	vst v63  }
0x9b: {  	v63 =	vld [tilespmem:$0x120];
	_ =	sdelay $0x4  }
0x9c: {  	v63 =	vshll.u32 v63, $0xD  }
0x9d: {  	v63 =	vperm.xlane v63, v0;
	_ =	sdelay $0x5  }
0x9e: {  	[tilespmem:s15], [sflag:$0x1] =	stream.indirect_vreg.gather [hbm4b:s3+s2], $0x80, v63, vm0, $0x38;
	[tilespmem:$0x10400] =	vst v63  }
0x9f: {  	v63 =	vld [tilespmem:$0x130];
	_ =	sdelay $0x4  }
0xa0: {  	v63 =	vshll.u32 v63, $0xD  }
0xa1: {  	v63 =	vperm.xlane v63, v0;
	_ =	sdelay $0x5  }
0xa2: {  	[tilespmem:s16], [sflag:$0x1] =	stream.indirect_vreg.gather [hbm4b:s3+s2], $0x80, v63, vm0, $0x38;
	[tilespmem:$0x10400] =	vst v63  }
0xa3: {  	v63 =	vld [tilespmem:$0x140];
	_ =	sdelay $0x4  }
0xa4: {  	v63 =	vshll.u32 v63, $0xD  }
0xa5: {  	v63 =	vperm.xlane v63, v0;
	_ =	sdelay $0x5  }
0xa6: {  	[tilespmem:s17], [sflag:$0x1] =	stream.indirect_vreg.gather [hbm4b:s3+s2], $0x80, v63, vm0, $0x38;
	[tilespmem:$0x10400] =	vst v63  }
0xa7: {  	v63 =	vld [tilespmem:$0x150];
	_ =	sdelay $0x4  }
0xa8: {  	v63 =	vshll.u32 v63, $0xD  }
0xa9: {  	v63 =	vperm.xlane v63, v0;
	_ =	sdelay $0x5  }
0xaa: {  	[tilespmem:s18], [sflag:$0x1] =	stream.indirect_vreg.gather [hbm4b:s3+s2], $0x80, v63, vm0, $0x38;
	[tilespmem:$0x10400] =	vst v63  }
0xab: {  	v63 =	vld [tilespmem:$0x160];
	_ =	sdelay $0x4  }
0xac: {  	v63 =	vshll.u32 v63, $0xD  }
0xad: {  	v63 =	vperm.xlane v63, v0;
	_ =	sdelay $0x5  }
0xae: {  	[tilespmem:s19], [sflag:$0x1] =	stream.indirect_vreg.gather [hbm4b:s3+s2], $0x80, v63, vm0, $0x38;
	[tilespmem:$0x10400] =	vst v63  }
0xaf: {  	v63 =	vld [tilespmem:$0x170];
	_ =	sdelay $0x4  }
0xb0: {  	v63 =	vshll.u32 v63, $0xD  }
0xb1: {  	v63 =	vperm.xlane v63, v0;
	_ =	sdelay $0x5  }
0xb2: {  	[tilespmem:s20], [sflag:$0x1] =	stream.indirect_vreg.gather [hbm4b:s3+s2], $0x80, v63, vm0, $0x38;
	[tilespmem:$0x10400] =	vst v63  }
0xb3: {  	v63 =	vld [tilespmem:$0x180];
	_ =	sdelay $0x4  }
0xb4: {  	v63 =	vshll.u32 v63, $0xD  }
0xb5: {  	v63 =	vperm.xlane v63, v0;
	_ =	sdelay $0x5  }
0xb6: {  	[tilespmem:s21], [sflag:$0x1] =	stream.indirect_vreg.gather [hbm4b:s3+s2], $0x80, v63, vm0, $0x38;
	[tilespmem:$0x10400] =	vst v63  }
0xb7: {  	v63 =	vld [tilespmem:$0x190];
	_ =	sdelay $0x4  }
0xb8: {  	v63 =	vshll.u32 v63, $0xD  }
0xb9: {  	v63 =	vperm.xlane v63, v0;
	_ =	sdelay $0x5  }
0xba: {  	[tilespmem:s22], [sflag:$0x1] =	stream.indirect_vreg.gather [hbm4b:s3+s2], $0x80, v63, vm0, $0x38;
	[tilespmem:$0x10400] =	vst v63  }
0xbb: {  	v63 =	vld [tilespmem:$0x1A0];
	_ =	sdelay $0x4  }
0xbc: {  	v63 =	vshll.u32 v63, $0xD  }
0xbd: {  	v63 =	vperm.xlane v63, v0;
	_ =	sdelay $0x5  }
0xbe: {  	[tilespmem:s23], [sflag:$0x1] =	stream.indirect_vreg.gather [hbm4b:s3+s2], $0x80, v63, vm0, $0x38;
	[tilespmem:$0x10400] =	vst v63  }
0xbf: {  	v63 =	vld [tilespmem:$0x1B0];
	_ =	sdelay $0x4  }
0xc0: {  	v63 =	vshll.u32 v63, $0xD  }
0xc1: {  	v63 =	vperm.xlane v63, v0;
	_ =	sdelay $0x5  }
0xc2: {  	[tilespmem:s24], [sflag:$0x1] =	stream.indirect_vreg.gather [hbm4b:s3+s2], $0x80, v63, vm0, $0x38;
	[tilespmem:$0x10400] =	vst v63  }
0xc3: {  	v63 =	vld [tilespmem:$0x1C0];
	_ =	sdelay $0x4  }
0xc4: {  	v63 =	vshll.u32 v63, $0xD  }
0xc5: {  	v63 =	vperm.xlane v63, v0;
	_ =	sdelay $0x5  }
0xc6: {  	[tilespmem:s25], [sflag:$0x1] =	stream.indirect_vreg.gather [hbm4b:s3+s2], $0x80, v63, vm0, $0x38;
	[tilespmem:$0x10400] =	vst v63  }
0xc7: {  	v63 =	vld [tilespmem:$0x1D0];
	_ =	sdelay $0x4  }
0xc8: {  	v63 =	vshll.u32 v63, $0xD  }
0xc9: {  	v63 =	vperm.xlane v63, v0;
	_ =	sdelay $0x5  }
0xca: {  	[tilespmem:s26], [sflag:$0x1] =	stream.indirect_vreg.gather [hbm4b:s3+s2], $0x80, v63, vm0, $0x38;
	[tilespmem:$0x10400] =	vst v63  }
0xcb: {  	v63 =	vld [tilespmem:$0x1E0];
	_ =	sdelay $0x4  }
0xcc: {  	v63 =	vshll.u32 v63, $0xD  }
0xcd: {  	v63 =	vperm.xlane v63, v0;
	_ =	sdelay $0x5  }
0xce: {  	[tilespmem:s28], [sflag:$0x1] =	stream.indirect_vreg.gather [hbm4b:s3+s2], $0x80, v63, vm0, $0x38;
	[tilespmem:$0x10400] =	vst v63  }
0xcf: {  	v63 =	vld [tilespmem:$0x1F0];
	_ =	sdelay $0x4  }
0xd0: {  	v63 =	vshll.u32 v63, $0xD  }
0xd1: {  	v63 =	vperm.xlane v63, v0;
	_ =	sdelay $0x5  }
0xd2: {  	[tilespmem:s29], [sflag:$0x1] =	stream.indirect_vreg.gather [hbm4b:s3+s2], $0x80, v63, vm0, $0x38;
	[tilespmem:$0x10400] =	vst v63  }
0xd3: {  	_ =	swait.ge [sflag:s30], $0x4000  }
0xd4: {  	[sflag:s30] =	ssyncset.done $0x0  }
0xd5: {  	[sflag:s30] =	ssyncadd.s32 $0xFFFFC000  }
0xd6: {  	_ =	swait.ge [sflag:s30], $0x4000  }
0xd7: {  	[sflag:s30] =	ssyncset.done $0x0  }
0xd8: {  	[sflag:s30] =	ssyncadd.s32 $0xFFFFC000  }
0xd9: {  	_ =	swait.ge [sflag:s30], $0x4000  }
0xda: {  	[sflag:s30] =	ssyncset.done $0x0  }
0xdb: {  	[sflag:s30] =	ssyncadd.s32 $0xFFFFC000  }
0xdc: {  	_ =	swait.ge [sflag:s30], $0x4000  }
0xdd: {  	[sflag:s30] =	ssyncset.done $0x0  }
0xde: {  	[sflag:s30] =	ssyncadd.s32 $0xFFFFC000  }
0xdf: {  	v63 =	vld.idx.msk [tilespmem:v31+s5+$0x0], $0xffff;
	_ =	sdelay $0x4  }
0xe0: {  	[tilespmem:$0x10200] =	vst v63  }
0xe1: {  	v63 =	vld.idx.msk [tilespmem:v35+s5+$0x0], $0xffff;
	_ =	sdelay $0x4  }
0xe2: {  	[tilespmem:$0x10210] =	vst v63  }
0xe3: {  	v63 =	vld.idx.msk [tilespmem:v36+s5+$0x0], $0xffff;
	_ =	sdelay $0x4  }
0xe4: {  	[tilespmem:$0x10220] =	vst v63  }
0xe5: {  	v63 =	vld.idx.msk [tilespmem:v37+s5+$0x0], $0xffff;
	_ =	sdelay $0x4  }
0xe6: {  	[tilespmem:$0x10230] =	vst v63  }
0xe7: {  	v63 =	vld.idx.msk [tilespmem:v38+s5+$0x0], $0xffff;
	_ =	sdelay $0x4  }
0xe8: {  	[tilespmem:$0x10240] =	vst v63  }
0xe9: {  	v63 =	vld.idx.msk [tilespmem:v39+s5+$0x0], $0xffff;
	_ =	sdelay $0x4  }
0xea: {  	[tilespmem:$0x10250] =	vst v63  }
0xeb: {  	v63 =	vld.idx.msk [tilespmem:v40+s5+$0x0], $0xffff;
	_ =	sdelay $0x4  }
0xec: {  	[tilespmem:$0x10260] =	vst v63  }
0xed: {  	v63 =	vld.idx.msk [tilespmem:v41+s5+$0x0], $0xffff;
	_ =	sdelay $0x4  }
0xee: {  	[tilespmem:$0x10270] =	vst v63  }
0xef: {  	v63 =	vld.idx.msk [tilespmem:v42+s5+$0x0], $0xffff;
	_ =	sdelay $0x4  }
0xf0: {  	[tilespmem:$0x10280] =	vst v63  }
0xf1: {  	v63 =	vld.idx.msk [tilespmem:v43+s5+$0x0], $0xffff;
	_ =	sdelay $0x4  }
0xf2: {  	[tilespmem:$0x10290] =	vst v63  }
0xf3: {  	v63 =	vld.idx.msk [tilespmem:v44+s5+$0x0], $0xffff;
	_ =	sdelay $0x4  }
0xf4: {  	[tilespmem:$0x102A0] =	vst v63  }
0xf5: {  	v63 =	vld.idx.msk [tilespmem:v45+s5+$0x0], $0xffff;
	_ =	sdelay $0x4  }
0xf6: {  	[tilespmem:$0x102B0] =	vst v63  }
0xf7: {  	v63 =	vld.idx.msk [tilespmem:v46+s5+$0x0], $0xffff;
	_ =	sdelay $0x4  }
0xf8: {  	[tilespmem:$0x102C0] =	vst v63  }
0xf9: {  	v63 =	vld.idx.msk [tilespmem:v47+s5+$0x0], $0xffff;
	_ =	sdelay $0x4  }
0xfa: {  	[tilespmem:$0x102D0] =	vst v63  }
0xfb: {  	v63 =	vld.idx.msk [tilespmem:v48+s5+$0x0], $0xffff;
	_ =	sdelay $0x4  }
0xfc: {  	[tilespmem:$0x102E0] =	vst v63  }
0xfd: {  	v63 =	vld.idx.msk [tilespmem:v49+s5+$0x0], $0xffff;
	_ =	sdelay $0x4  }
0xfe: {  	[tilespmem:$0x102F0] =	vst v63  }
0xff: {  	v63 =	vld.idx.msk [tilespmem:v50+s5+$0x0], $0xffff;
	_ =	sdelay $0x4  }
0x100: {  	[tilespmem:$0x10300] =	vst v63  }
0x101: {  	v63 =	vld.idx.msk [tilespmem:v51+s5+$0x0], $0xffff;
	_ =	sdelay $0x4  }
0x102: {  	[tilespmem:$0x10310] =	vst v63  }
0x103: {  	v63 =	vld.idx.msk [tilespmem:v52+s5+$0x0], $0xffff;
	_ =	sdelay $0x4  }
0x104: {  	[tilespmem:$0x10320] =	vst v63  }
0x105: {  	v63 =	vld.idx.msk [tilespmem:v53+s5+$0x0], $0xffff;
	_ =	sdelay $0x4  }
0x106: {  	[tilespmem:$0x10330] =	vst v63  }
0x107: {  	v63 =	vld.idx.msk [tilespmem:v54+s5+$0x0], $0xffff;
	_ =	sdelay $0x4  }
0x108: {  	[tilespmem:$0x10340] =	vst v63  }
0x109: {  	v63 =	vld.idx.msk [tilespmem:v55+s5+$0x0], $0xffff;
	_ =	sdelay $0x4  }
0x10a: {  	[tilespmem:$0x10350] =	vst v63  }
0x10b: {  	v63 =	vld.idx.msk [tilespmem:v56+s5+$0x0], $0xffff;
	_ =	sdelay $0x4  }
0x10c: {  	[tilespmem:$0x10360] =	vst v63  }
0x10d: {  	v63 =	vld.idx.msk [tilespmem:v57+s5+$0x0], $0xffff;
	_ =	sdelay $0x4  }
0x10e: {  	[tilespmem:$0x10370] =	vst v63  }
0x10f: {  	v63 =	vld.idx.msk [tilespmem:v58+s5+$0x0], $0xffff;
	_ =	sdelay $0x4  }
0x110: {  	[tilespmem:$0x10380] =	vst v63  }
0x111: {  	v63 =	vld.idx.msk [tilespmem:v59+s5+$0x0], $0xffff;
	_ =	sdelay $0x4  }
0x112: {  	[tilespmem:$0x10390] =	vst v63  }
0x113: {  	v63 =	vld.idx.msk [tilespmem:v60+s5+$0x0], $0xffff;
	_ =	sdelay $0x4  }
0x114: {  	[tilespmem:$0x103A0] =	vst v63  }
0x115: {  	v63 =	vld.idx.msk [tilespmem:v61+s5+$0x0], $0xffff;
	_ =	sdelay $0x4  }
0x116: {  	[tilespmem:$0x103B0] =	vst v63  }
0x117: {  	v63 =	vld.idx.msk [tilespmem:v62+s5+$0x0], $0xffff  }
0x118: {  	v2 =	vor.u32 $0xE800, v31;
	_ =	sdelay $0x3  }
0x119: {  	[tilespmem:$0x103C0] =	vst v63  }
0x11a: {  	v2 =	vld.idx.msk [tilespmem:v2+s5+$0x0], $0xffff  }
0x11b: {  	v63 =	vor.u32 $0xF000, v31;
	_ =	sdelay $0x3  }
0x11c: {  	[tilespmem:$0x103D0] =	vst v2  }
0x11d: {  	v2 =	vld.idx.msk [tilespmem:v63+s5+$0x0], $0xffff  }
0x11e: {  	v63 =	vor.u32 $0xF800, v31;
	_ =	sdelay $0x3  }
0x11f: {  	[tilespmem:$0x103E0] =	vst v2  }
0x120: {  	v2 =	vld.idx.msk [tilespmem:v63+s5+$0x0], $0xffff;
	_ =	sdelay $0x3  }
0x121: {  	p0 =	sne.s32 s4, $0x1  }
.Ltmp0:
0x122: {  	s0 =	rddreg [dreg:$0x3];
	[tilespmem:$0x103F0] =	vst v2;
	(pc) =	sbr.rel @p0 .LBB2_1-.Ltmp0, $4  }
0x123: {  	[hbm4b:s0+s2] =	stream.linear.scatter [tilespmem:s31], [sflag:$0x2], $0x200, $0x38;
	[tilespmem:$0x10400] =	vst v63  }
0x124: {  	_ =	swait.ge [sflag:s1], $0x200  }
0x125: {  	[sflag:s1] =	ssyncset.done $0x0  }
0x126: {  	s4 =	sadd.s32 $0xFFFFFFFF, s4;
	[sflag:s1] =	ssyncadd.s32 $0xFFFFFE00  }
0x127: {  	_ =	sfence.sel $0x180000  }
0x128: {  	[bflag:$0x0] =	sbarrier.arrive $0xFFFF  }
0x129: {  	_ =	strace $0x90000047  }
0x12a: {  	s0 =	stileid.u32;
	[bflag:$0x2] =	sbarrier.arrive $0xFFFF  }
0x12b: {  	p0 =	sne.s32 s0, $0x0;
	s0 =	rddreg [dreg:$0x2]  }
0x12c: {  	s0 =	sadd.s32 @!p0 $0x100000, s0  }
0x12d: {  	[sflag:s0] =	ssyncadd.tile.s32 @!p0 $0x1;
	_ =	shalt  }
.Lfunc_end2:
_tile_overlayer_lowered:
.L_overlay_start_2:
0x12e: {  	(tag) =	ssettag $0x2  }
0x12f: {  	s0 =	rddreg [dreg:$0x0];
	s2 =	stileid.u32  }
0x130: {  	s1 =	rddreg [dreg:$0x1];
	p0 =	sne.s32 s2, $0x0  }
0x131: {  	s3 =	rddreg [dreg:$0x2];
	[bflag:$0x3] =	sbarrier.arrive $0xFFFF;
	s2 =	simm.s32 @!p0 $0x1C02  }
0x132: {  	[timem:s3], [sflag:s2] =	dma.local @!p0 [hbm:s0], s1  }
0x133: {  	s0 =	simm.s32 @!p0 $0x2  }
0x134: {  	_ =	swait.ge @!p0 [sflag:s0], s1  }
0x135: {  	s1 =	ssub.s32 @!p0 $0x0, s1;
	[sflag:s0] =	ssyncset.done @!p0 $0x0  }
0x136: {  	[sflag:s0] =	ssyncadd.s32 @!p0 s1  }
0x137: {  	[bflag:$0x3] =	sbarrier.arrive $0xFFFF  }
0x138: {  	_ =	shalt  }

</sc_bundles>
